<compile_context>
chip_gen: v7x
topology: tpu7x:2x2x1
jax: 0.10.2.dev20260603
libtpu: 0.0.44.dev20260713+nightly
codegen_flags: <defaults>
</compile_context>

<pallas_src>
import functools

import jax
import jax.numpy as jnp
from jax import lax
from jax.experimental import pallas as pl
from jax.experimental.pallas import tpu as pltpu
from jax.experimental.pallas import tpu_sc as plsc

VOCAB = 100000
EMB = 64
EPS = 1e-5

NC = 2
NS = 16
NW = NC * NS

ROW_BLOCK = 8192

BCH = 128


def _ln_table_body(w_ref, g_ref, b_ref, o_ref):
    x = w_ref[...]
    mean = jnp.mean(x, axis=0, keepdims=True)
    xc = x - mean
    var = jnp.mean(xc * xc, axis=0, keepdims=True)
    n = xc * lax.rsqrt(var + EPS) * g_ref[...] + b_ref[...]
    t = jnp.transpose(n)
    o_ref[...] = jnp.concatenate([t, jnp.zeros_like(t)], axis=-1)


def _normalize_table(table_t, gamma, beta):
    grid = (VOCAB + ROW_BLOCK - 1) // ROW_BLOCK
    return pl.pallas_call(
        _ln_table_body,
        grid=(grid,),
        in_specs=[
            pl.BlockSpec((EMB, ROW_BLOCK), lambda i: (0, i)),
            pl.BlockSpec((EMB, 1), lambda i: (0, 0)),
            pl.BlockSpec((EMB, 1), lambda i: (0, 0)),
        ],
        out_specs=pl.BlockSpec((ROW_BLOCK, 2 * EMB), lambda i: (i, 0)),
        out_shape=jax.ShapeDtypeStruct((VOCAB, 2 * EMB), jnp.float32),
    )(table_t, gamma.reshape(EMB, 1), beta.reshape(EMB, 1))


def _make_gather(batch, seq):
    mesh = plsc.VectorSubcoreMesh(core_axis_name="c", subcore_axis_name="s")

    @functools.partial(
        pl.kernel,
        mesh=mesh,
        compiler_params=pltpu.CompilerParams(needs_layout_passes=False),
        out_type=jax.ShapeDtypeStruct((seq, EMB, batch), jnp.float32),
        scratch_types=(
            [pltpu.VMEM((seq, BCH), jnp.int32)]
            + [pltpu.VMEM((BCH, 2 * EMB), jnp.float32)] * 4
            + [pltpu.VMEM((EMB, BCH), jnp.float32)] * 2
            + [pltpu.SemaphoreType.DMA] * 6
        ),
    )
    def gather_kernel(table_hbm, idxt_hbm, out_hbm, idx_tv, *rest):
        rows = rest[:4]
        trans = rest[4:6]
        gsems = rest[6:10]
        wsems = rest[10:12]
        wid = lax.axis_index("s") * NC + lax.axis_index("c")
        b0 = wid * BCH
        pltpu.sync_copy(idxt_hbm.at[:, pl.ds(b0, BCH)], idx_tv)

        lanes = lax.broadcasted_iota(jnp.int32, (16,), 0)
        rowvs = [lanes + g * 16 for g in range(BCH // 16)]

        pltpu.async_copy(table_hbm.at[idx_tv.at[0]], rows[0], gsems[0])
        pltpu.async_copy(table_hbm.at[idx_tv.at[1]], rows[1], gsems[1])
        pltpu.async_copy(table_hbm.at[idx_tv.at[2]], rows[2], gsems[2])

        def transpose(src, dst):
            def dbody(d, _):
                rot = (d + lanes) & 15
                for e_blk in range(EMB // 16):
                    col = rot + e_blk * 16
                    vs = [plsc.load_gather(src, [rowvs[g], col])
                          for g in range(BCH // 16)]
                    for g in range(BCH // 16):
                        plsc.store_scatter(dst, [col, rowvs[g]], vs[g])
                return 0
            lax.fori_loop(0, 16, dbody, 0)

        def body(i, _):
            j0 = i * 4
            for t in range(4):
                j = j0 + t
                tb = t % 2
                pltpu.make_async_copy(
                    table_hbm.at[pl.ds(0, BCH)], rows[t], gsems[t]).wait()

                t3 = (t + 3) % 4
                @pl.when(j + 3 < seq)
                def _():
                    pltpu.async_copy(
                        table_hbm.at[idx_tv.at[j + 3]], rows[t3], gsems[t3])

                @pl.when(j >= 2)
                def _():
                    pltpu.make_async_copy(
                        trans[tb],
                        out_hbm.at[0, :, pl.ds(0, BCH)], wsems[tb]).wait()

                transpose(rows[t], trans[tb])
                pltpu.async_copy(
                    trans[tb], out_hbm.at[j, :, pl.ds(b0, BCH)], wsems[tb])
            return 0

        lax.fori_loop(0, seq // 4, body, 0)
        for tb in range(2):
            pltpu.make_async_copy(
                trans[tb], out_hbm.at[0, :, pl.ds(0, BCH)], wsems[tb]).wait()

    return gather_kernel


def kernel(input_tensor, token_emb_weight, ln_weight, ln_bias):
    batch, seq = input_tensor.shape
    table_t = jnp.transpose(token_emb_weight)
    normed = _normalize_table(table_t, ln_weight, ln_bias)
    idx_t = jnp.transpose(input_tensor)
    out_t = _make_gather(batch, seq)(normed, idx_t)
    return jnp.transpose(out_t, (2, 0, 1))

# --- scband reference (transcript-rebuilt; emitter-appended) ---
"""Pipeline reference for scband-joint-embedding-14542759264672 (READ-ONLY COPY).

The authoritative reference and input builder live on the scoring server;
editing this copy changes nothing except your own understanding.
"""

import jax, jax.numpy as jnp
import numpy as np

VOCAB = 100000
EMB = 64
PAD_IDX = 0
EPS = 1e-5
BATCH = 4096
SEQ = 200


def setup_inputs(seed: int = 0) -> dict:
    key = jax.random.key(seed)
    k1, k2 = jax.random.split(key, 2)
    input_tensor = jax.random.randint(k1, (BATCH, SEQ), 0, VOCAB, dtype=jnp.int32)
    token_emb_weight = jax.random.normal(k2, (VOCAB, EMB), dtype=jnp.float32) * 0.02
    # torch nn.Embedding with padding_idx zeros that row at init
    token_emb_weight = token_emb_weight.at[PAD_IDX].set(0.0)
    ln_weight = jnp.ones((EMB,), dtype=jnp.float32)
    ln_bias = jnp.zeros((EMB,), dtype=jnp.float32)
    return {
        "input_tensor": input_tensor,
        "token_emb_weight": token_emb_weight,
        "ln_weight": ln_weight,
        "ln_bias": ln_bias,
    }


def reference(input_tensor, token_emb_weight, ln_weight, ln_bias):
    # token embedding lookup (gather)
    emb = jnp.take(token_emb_weight, input_tensor, axis=0)  # [B, S, E]
    # LayerNorm over last dim (torch uses biased variance)
    mean = jnp.mean(emb, axis=-1, keepdims=True)
    var = jnp.mean((emb - mean) ** 2, axis=-1, keepdims=True)
    normed = (emb - mean) / jnp.sqrt(var + EPS)
    out = normed * ln_weight + ln_bias
    # dropout in eval mode is identity
    return out

if __name__ == "__main__":
    import jax
    _d = setup_inputs()
    print(jax.jit(kernel)(*tuple(_d.values())))

</pallas_src>

<mosaic_0001>
#map = affine_map<(d0, d1) -> (0, 0)>
#map1 = affine_map<(d0, d1) -> (0, 0, 0)>
module attributes {stable_mosaic.version = 14 : i64} {
  func.func @gather_kernel(%arg0: i32, %arg1: i32, %arg2: memref<100000x128xf32, #tpu.memory_space<hbm>>, %arg3: memref<200x4096xi32, #tpu.memory_space<hbm>>, %arg4: memref<200x64x4096xf32, #tpu.memory_space<hbm>>, %arg5: memref<200x128xi32, #tpu.memory_space<vmem>>, %arg6: memref<128x128xf32, #tpu.memory_space<vmem>>, %arg7: memref<128x128xf32, #tpu.memory_space<vmem>>, %arg8: memref<128x128xf32, #tpu.memory_space<vmem>>, %arg9: memref<128x128xf32, #tpu.memory_space<vmem>>, %arg10: memref<64x128xf32, #tpu.memory_space<vmem>>, %arg11: memref<64x128xf32, #tpu.memory_space<vmem>>, %arg12: memref<!tpu.dma_semaphore, #tpu.memory_space<semaphore_mem>>, %arg13: memref<!tpu.dma_semaphore, #tpu.memory_space<semaphore_mem>>, %arg14: memref<!tpu.dma_semaphore, #tpu.memory_space<semaphore_mem>>, %arg15: memref<!tpu.dma_semaphore, #tpu.memory_space<semaphore_mem>>, %arg16: memref<!tpu.dma_semaphore, #tpu.memory_space<semaphore_mem>>, %arg17: memref<!tpu.dma_semaphore, #tpu.memory_space<semaphore_mem>>) attributes {dimension_semantics = [#tpu.dimension_semantics<core_parallel>, #tpu.dimension_semantics<subcore_parallel>], iteration_bounds = array<i64: 2, 16>, scalar_prefetch = 0 : i64, scratch_operands = 13 : i64, tpu.core_type = #tpu.core_type<sc_vector_subcore>, window_params = [{transform_indices = #map}, {transform_indices = #map}, {transform_indices = #map1}]} {
    %mul3A = arith.constant 2 : i32
    %mul3A_0 = arith.muli %arg1, %mul3A : i32
    %add3A = arith.addi %mul3A_0, %arg0 : i32
    %mul3A_1 = arith.constant 128 : i32
    %mul3A_2 = arith.muli %add3A, %mul3A_1 : i32
    "tpu.region"() ({
      %run_scoped3A = tpu.sem_alloc : memref<!tpu.dma_semaphore, #tpu.memory_space<semaphore_mem>>
      %dma_start3A_70 = arith.constant 0 : i32
      %dma_start3A_71 = tpu.memref_slice %arg3[%dma_start3A_70, %mul3A_2] : memref<200x4096xi32, #tpu.memory_space<hbm>> -> memref<200x128xi32, #tpu.memory_space<hbm>>
      %dma_start3A_72 = arith.constant 0 : i32
      %dma_start3A_73 = tpu.memref_slice %arg3[%dma_start3A_72, %mul3A_2] : memref<200x4096xi32, #tpu.memory_space<hbm>> -> memref<200x128xi32, #tpu.memory_space<hbm>>
      tpu.enqueue_dma source(%dma_start3A_73 : memref<200x128xi32, #tpu.memory_space<hbm>>) target(%arg5 : memref<200x128xi32, #tpu.memory_space<vmem>>) target_semaphore(%run_scoped3A : memref<!tpu.dma_semaphore, #tpu.memory_space<semaphore_mem>>)
      %dma_wait3A_74 = arith.constant 0 : i32
      %dma_wait3A_75 = tpu.memref_slice %arg3[%dma_wait3A_74, %mul3A_2] : memref<200x4096xi32, #tpu.memory_space<hbm>> -> memref<200x128xi32, #tpu.memory_space<hbm>>
      %dma_wait3A_76 = arith.constant 0 : i32
      %dma_wait3A_77 = tpu.memref_slice %arg3[%dma_wait3A_76, %mul3A_2] : memref<200x4096xi32, #tpu.memory_space<hbm>> -> memref<200x128xi32, #tpu.memory_space<hbm>>
      tpu.wait_dma2 semaphore(%run_scoped3A : memref<!tpu.dma_semaphore, #tpu.memory_space<semaphore_mem>>) src(%dma_wait3A_77 : memref<200x128xi32, #tpu.memory_space<hbm>>) dst(%arg5 : memref<200x128xi32, #tpu.memory_space<vmem>>)
      tpu.yield
    }) : () -> ()
    %iota3A = tpu.iota {dimensions = array<i32: 0>} : vector<16xi32>
    %add3A_3 = arith.constant 0 : i32
    %add3A_4 = vector.broadcast %add3A_3 : i32 to vector<16xi32>
    %add3A_5 = arith.addi %iota3A, %add3A_4 : vector<16xi32>
    %add3A_6 = arith.constant 16 : i32
    %add3A_7 = vector.broadcast %add3A_6 : i32 to vector<16xi32>
    %add3A_8 = arith.addi %iota3A, %add3A_7 : vector<16xi32>
    %add3A_9 = arith.constant 32 : i32
    %add3A_10 = vector.broadcast %add3A_9 : i32 to vector<16xi32>
    %add3A_11 = arith.addi %iota3A, %add3A_10 : vector<16xi32>
    %add3A_12 = arith.constant 48 : i32
    %add3A_13 = vector.broadcast %add3A_12 : i32 to vector<16xi32>
    %add3A_14 = arith.addi %iota3A, %add3A_13 : vector<16xi32>
    %add3A_15 = arith.constant 64 : i32
    %add3A_16 = vector.broadcast %add3A_15 : i32 to vector<16xi32>
    %add3A_17 = arith.addi %iota3A, %add3A_16 : vector<16xi32>
    %add3A_18 = arith.constant 80 : i32
    %add3A_19 = vector.broadcast %add3A_18 : i32 to vector<16xi32>
    %add3A_20 = arith.addi %iota3A, %add3A_19 : vector<16xi32>
    %add3A_21 = arith.constant 96 : i32
    %add3A_22 = vector.broadcast %add3A_21 : i32 to vector<16xi32>
    %add3A_23 = arith.addi %iota3A, %add3A_22 : vector<16xi32>
    %add3A_24 = arith.constant 112 : i32
    %add3A_25 = vector.broadcast %add3A_24 : i32 to vector<16xi32>
    %add3A_26 = arith.addi %iota3A, %add3A_25 : vector<16xi32>
    %dma_start3A = arith.constant 0 : i32
    %dma_start3A_27 = arith.constant 0 : i32
    %dma_start3A_28 = tpu.memref_slice %arg5[%dma_start3A, %dma_start3A_27] : memref<200x128xi32, #tpu.memory_space<vmem>> -> memref<1x128xi32, #tpu.memory_space<vmem>>
    %dma_start3A_29 = tpu.memref_squeeze %dma_start3A_28 : memref<1x128xi32, #tpu.memory_space<vmem>> -> memref<128xi32, #tpu.memory_space<vmem>>
    %dma_start3A_30 = arith.constant 0 : i32
    %dma_start3A_31 = arith.constant 0 : i32
    %dma_start3A_32 = tpu.memref_slice %arg2[%dma_start3A_30, %dma_start3A_31] : memref<100000x128xf32, #tpu.memory_space<hbm>> -> memref<100000x128xf32, #tpu.memory_space<hbm>>
    tpu.enqueue_indirect_dma source(%dma_start3A_32 : memref<100000x128xf32, #tpu.memory_space<hbm>>) target(%arg6 : memref<128x128xf32, #tpu.memory_space<vmem>>) offsets(%dma_start3A_29 : memref<128xi32, #tpu.memory_space<vmem>>) semaphore(%arg12 : memref<!tpu.dma_semaphore, #tpu.memory_space<semaphore_mem>>)
    %dma_start3A_33 = arith.constant 1 : i32
    %dma_start3A_34 = arith.constant 0 : i32
    %dma_start3A_35 = tpu.memref_slice %arg5[%dma_start3A_33, %dma_start3A_34] : memref<200x128xi32, #tpu.memory_space<vmem>> -> memref<1x128xi32, #tpu.memory_space<vmem>>
    %dma_start3A_36 = tpu.memref_squeeze %dma_start3A_35 : memref<1x128xi32, #tpu.memory_space<vmem>> -> memref<128xi32, #tpu.memory_space<vmem>>
    %dma_start3A_37 = arith.constant 0 : i32
    %dma_start3A_38 = arith.constant 0 : i32
    %dma_start3A_39 = tpu.memref_slice %arg2[%dma_start3A_37, %dma_start3A_38] : memref<100000x128xf32, #tpu.memory_space<hbm>> -> memref<100000x128xf32, #tpu.memory_space<hbm>>
    tpu.enqueue_indirect_dma source(%dma_start3A_39 : memref<100000x128xf32, #tpu.memory_space<hbm>>) target(%arg7 : memref<128x128xf32, #tpu.memory_space<vmem>>) offsets(%dma_start3A_36 : memref<128xi32, #tpu.memory_space<vmem>>) semaphore(%arg13 : memref<!tpu.dma_semaphore, #tpu.memory_space<semaphore_mem>>)
    %dma_start3A_40 = arith.constant 2 : i32
    %dma_start3A_41 = arith.constant 0 : i32
    %dma_start3A_42 = tpu.memref_slice %arg5[%dma_start3A_40, %dma_start3A_41] : memref<200x128xi32, #tpu.memory_space<vmem>> -> memref<1x128xi32, #tpu.memory_space<vmem>>
    %dma_start3A_43 = tpu.memref_squeeze %dma_start3A_42 : memref<1x128xi32, #tpu.memory_space<vmem>> -> memref<128xi32, #tpu.memory_space<vmem>>
    %dma_start3A_44 = arith.constant 0 : i32
    %dma_start3A_45 = arith.constant 0 : i32
    %dma_start3A_46 = tpu.memref_slice %arg2[%dma_start3A_44, %dma_start3A_45] : memref<100000x128xf32, #tpu.memory_space<hbm>> -> memref<100000x128xf32, #tpu.memory_space<hbm>>
    tpu.enqueue_indirect_dma source(%dma_start3A_46 : memref<100000x128xf32, #tpu.memory_space<hbm>>) target(%arg8 : memref<128x128xf32, #tpu.memory_space<vmem>>) offsets(%dma_start3A_43 : memref<128xi32, #tpu.memory_space<vmem>>) semaphore(%arg14 : memref<!tpu.dma_semaphore, #tpu.memory_space<semaphore_mem>>)
    %scan3A = arith.constant 0 : i32
    %scan3A_47 = arith.constant 0 : i32
    %scan3A_48 = arith.constant 50 : i32
    %scan3A_49 = arith.addi %scan3A_47, %scan3A_48 : i32
    %scan3A_50 = arith.constant 1 : i32
    %scan3A_51 = scf.for %scan3A_70 = %scan3A_47 to %scan3A_49 step %scan3A_50 iter_args(%scan3A_71 = %scan3A) -> (i32)  : i32 {
      %mul3A_72 = arith.constant 4 : i32
      %mul3A_73 = arith.muli %scan3A_70, %mul3A_72 : i32
      %add3A_74 = arith.constant 0 : i32
      %add3A_75 = arith.addi %mul3A_73, %add3A_74 : i32
      %dma_wait3A_76 = arith.constant 0 : i32
      %dma_wait3A_77 = arith.constant 0 : i32
      %dma_wait3A_78 = tpu.memref_slice %arg2[%dma_wait3A_76, %dma_wait3A_77] : memref<100000x128xf32, #tpu.memory_space<hbm>> -> memref<128x128xf32, #tpu.memory_space<hbm>>
      %dma_wait3A_79 = arith.constant 0 : i32
      %dma_wait3A_80 = arith.constant 0 : i32
      %dma_wait3A_81 = tpu.memref_slice %arg2[%dma_wait3A_79, %dma_wait3A_80] : memref<100000x128xf32, #tpu.memory_space<hbm>> -> memref<128x128xf32, #tpu.memory_space<hbm>>
      tpu.wait_dma2 semaphore(%arg12 : memref<!tpu.dma_semaphore, #tpu.memory_space<semaphore_mem>>) src(%dma_wait3A_81 : memref<128x128xf32, #tpu.memory_space<hbm>>) dst(%arg6 : memref<128x128xf32, #tpu.memory_space<vmem>>)
      %add3A_82 = arith.constant 3 : i32
      %add3A_83 = arith.addi %add3A_75, %add3A_82 : i32
      %lt3A = arith.constant 200 : i32
      %lt3A_84 = arith.cmpi slt, %add3A_83, %lt3A : i32
      %convert_element_type3A = arith.extui %lt3A_84 : i1 to i32
      %cond3A = arith.constant 0 : i32
      %cond3A_85 = arith.cmpi ne, %convert_element_type3A, %cond3A : i32
      scf.if %cond3A_85 {
        %add3A_203 = arith.constant 3 : i32
        %add3A_204 = arith.addi %add3A_75, %add3A_203 : i32
        %dma_start3A_205 = arith.constant 0 : i32
        %dma_start3A_206 = tpu.memref_slice %arg5[%add3A_204, %dma_start3A_205] : memref<200x128xi32, #tpu.memory_space<vmem>> -> memref<1x128xi32, #tpu.memory_space<vmem>>
        %dma_start3A_207 = tpu.memref_squeeze %dma_start3A_206 : memref<1x128xi32, #tpu.memory_space<vmem>> -> memref<128xi32, #tpu.memory_space<vmem>>
        %dma_start3A_208 = arith.constant 0 : i32
        %dma_start3A_209 = arith.constant 0 : i32
        %dma_start3A_210 = tpu.memref_slice %arg2[%dma_start3A_208, %dma_start3A_209] : memref<100000x128xf32, #tpu.memory_space<hbm>> -> memref<100000x128xf32, #tpu.memory_space<hbm>>
        tpu.enqueue_indirect_dma source(%dma_start3A_210 : memref<100000x128xf32, #tpu.memory_space<hbm>>) target(%arg9 : memref<128x128xf32, #tpu.memory_space<vmem>>) offsets(%dma_start3A_207 : memref<128xi32, #tpu.memory_space<vmem>>) semaphore(%arg15 : memref<!tpu.dma_semaphore, #tpu.memory_space<semaphore_mem>>)
      } else {
      }
      %ge3A = arith.constant 2 : i32
      %ge3A_86 = arith.cmpi sge, %add3A_75, %ge3A : i32
      %convert_element_type3A_87 = arith.extui %ge3A_86 : i1 to i32
      %cond3A_88 = arith.constant 0 : i32
      %cond3A_89 = arith.cmpi ne, %convert_element_type3A_87, %cond3A_88 : i32
      scf.if %cond3A_89 {
        %dma_wait3A_203 = arith.constant 0 : i32
        %dma_wait3A_204 = arith.constant 0 : i32
        %dma_wait3A_205 = arith.constant 0 : i32
        %dma_wait3A_206 = tpu.memref_slice %arg4[%dma_wait3A_203, %dma_wait3A_204, %dma_wait3A_205] : memref<200x64x4096xf32, #tpu.memory_space<hbm>> -> memref<1x64x128xf32, #tpu.memory_space<hbm>>
        %dma_wait3A_207 = tpu.memref_squeeze %dma_wait3A_206 : memref<1x64x128xf32, #tpu.memory_space<hbm>> -> memref<64x128xf32, #tpu.memory_space<hbm>>
        %dma_wait3A_208 = arith.constant 0 : i32
        %dma_wait3A_209 = arith.constant 0 : i32
        %dma_wait3A_210 = tpu.memref_slice %arg4[%dma_wait3A_203, %dma_wait3A_208, %dma_wait3A_209] : memref<200x64x4096xf32, #tpu.memory_space<hbm>> -> memref<1x64x128xf32, #tpu.memory_space<hbm>>
        %dma_wait3A_211 = tpu.memref_squeeze %dma_wait3A_210 : memref<1x64x128xf32, #tpu.memory_space<hbm>> -> memref<64x128xf32, #tpu.memory_space<hbm>>
        tpu.wait_dma2 semaphore(%arg16 : memref<!tpu.dma_semaphore, #tpu.memory_space<semaphore_mem>>) src(%arg10 : memref<64x128xf32, #tpu.memory_space<vmem>>) dst(%dma_wait3A_211 : memref<64x128xf32, #tpu.memory_space<hbm>>)
      } else {
      }
      %scan3A_90 = arith.constant 0 : i32
      %scan3A_91 = arith.constant 0 : i32
      %scan3A_92 = arith.constant 16 : i32
      %scan3A_93 = arith.addi %scan3A_91, %scan3A_92 : i32
      %scan3A_94 = arith.constant 1 : i32
      %scan3A_95 = scf.for %scan3A_203 = %scan3A_91 to %scan3A_93 step %scan3A_94 iter_args(%scan3A_204 = %scan3A_90) -> (i32)  : i32 {
        %add3A_205 = vector.broadcast %scan3A_203 : i32 to vector<16xi32>
        %add3A_206 = arith.addi %add3A_205, %iota3A : vector<16xi32>
        %and3A = arith.constant 15 : i32
        %and3A_207 = vector.broadcast %and3A : i32 to vector<16xi32>
        %and3A_208 = arith.andi %add3A_206, %and3A_207 : vector<16xi32>
        %add3A_209 = arith.constant 0 : i32
        %add3A_210 = vector.broadcast %add3A_209 : i32 to vector<16xi32>
        %add3A_211 = arith.addi %and3A_208, %add3A_210 : vector<16xi32>
        %gather3A = tpu.vector_load_idx %arg6[%add3A_5, %add3A_211] : memref<128x128xf32, #tpu.memory_space<vmem>>[vector<16xi32>, vector<16xi32>], vector<16xf32>,
        %gather3A_212 = tpu.vector_load_idx %arg6[%add3A_8, %add3A_211] : memref<128x128xf32, #tpu.memory_space<vmem>>[vector<16xi32>, vector<16xi32>], vector<16xf32>,
        %gather3A_213 = tpu.vector_load_idx %arg6[%add3A_11, %add3A_211] : memref<128x128xf32, #tpu.memory_space<vmem>>[vector<16xi32>, vector<16xi32>], vector<16xf32>,
        %gather3A_214 = tpu.vector_load_idx %arg6[%add3A_14, %add3A_211] : memref<128x128xf32, #tpu.memory_space<vmem>>[vector<16xi32>, vector<16xi32>], vector<16xf32>,
        %gather3A_215 = tpu.vector_load_idx %arg6[%add3A_17, %add3A_211] : memref<128x128xf32, #tpu.memory_space<vmem>>[vector<16xi32>, vector<16xi32>], vector<16xf32>,
        %gather3A_216 = tpu.vector_load_idx %arg6[%add3A_20, %add3A_211] : memref<128x128xf32, #tpu.memory_space<vmem>>[vector<16xi32>, vector<16xi32>], vector<16xf32>,
        %gather3A_217 = tpu.vector_load_idx %arg6[%add3A_23, %add3A_211] : memref<128x128xf32, #tpu.memory_space<vmem>>[vector<16xi32>, vector<16xi32>], vector<16xf32>,
        %gather3A_218 = tpu.vector_load_idx %arg6[%add3A_26, %add3A_211] : memref<128x128xf32, #tpu.memory_space<vmem>>[vector<16xi32>, vector<16xi32>], vector<16xf32>,
        tpu.vector_store_idx %arg10[%add3A_211, %add3A_5], %gather3A : memref<64x128xf32, #tpu.memory_space<vmem>>[vector<16xi32>, vector<16xi32>], vector<16xf32>,
        tpu.vector_store_idx %arg10[%add3A_211, %add3A_8], %gather3A_212 : memref<64x128xf32, #tpu.memory_space<vmem>>[vector<16xi32>, vector<16xi32>], vector<16xf32>,
        tpu.vector_store_idx %arg10[%add3A_211, %add3A_11], %gather3A_213 : memref<64x128xf32, #tpu.memory_space<vmem>>[vector<16xi32>, vector<16xi32>], vector<16xf32>,
        tpu.vector_store_idx %arg10[%add3A_211, %add3A_14], %gather3A_214 : memref<64x128xf32, #tpu.memory_space<vmem>>[vector<16xi32>, vector<16xi32>], vector<16xf32>,
        tpu.vector_store_idx %arg10[%add3A_211, %add3A_17], %gather3A_215 : memref<64x128xf32, #tpu.memory_space<vmem>>[vector<16xi32>, vector<16xi32>], vector<16xf32>,
        tpu.vector_store_idx %arg10[%add3A_211, %add3A_20], %gather3A_216 : memref<64x128xf32, #tpu.memory_space<vmem>>[vector<16xi32>, vector<16xi32>], vector<16xf32>,
        tpu.vector_store_idx %arg10[%add3A_211, %add3A_23], %gather3A_217 : memref<64x128xf32, #tpu.memory_space<vmem>>[vector<16xi32>, vector<16xi32>], vector<16xf32>,
        tpu.vector_store_idx %arg10[%add3A_211, %add3A_26], %gather3A_218 : memref<64x128xf32, #tpu.memory_space<vmem>>[vector<16xi32>, vector<16xi32>], vector<16xf32>,
        %add3A_219 = arith.constant 16 : i32
        %add3A_220 = vector.broadcast %add3A_219 : i32 to vector<16xi32>
        %add3A_221 = arith.addi %and3A_208, %add3A_220 : vector<16xi32>
        %gather3A_222 = tpu.vector_load_idx %arg6[%add3A_5, %add3A_221] : memref<128x128xf32, #tpu.memory_space<vmem>>[vector<16xi32>, vector<16xi32>], vector<16xf32>,
        %gather3A_223 = tpu.vector_load_idx %arg6[%add3A_8, %add3A_221] : memref<128x128xf32, #tpu.memory_space<vmem>>[vector<16xi32>, vector<16xi32>], vector<16xf32>,
        %gather3A_224 = tpu.vector_load_idx %arg6[%add3A_11, %add3A_221] : memref<128x128xf32, #tpu.memory_space<vmem>>[vector<16xi32>, vector<16xi32>], vector<16xf32>,
        %gather3A_225 = tpu.vector_load_idx %arg6[%add3A_14, %add3A_221] : memref<128x128xf32, #tpu.memory_space<vmem>>[vector<16xi32>, vector<16xi32>], vector<16xf32>,
        %gather3A_226 = tpu.vector_load_idx %arg6[%add3A_17, %add3A_221] : memref<128x128xf32, #tpu.memory_space<vmem>>[vector<16xi32>, vector<16xi32>], vector<16xf32>,
        %gather3A_227 = tpu.vector_load_idx %arg6[%add3A_20, %add3A_221] : memref<128x128xf32, #tpu.memory_space<vmem>>[vector<16xi32>, vector<16xi32>], vector<16xf32>,
        %gather3A_228 = tpu.vector_load_idx %arg6[%add3A_23, %add3A_221] : memref<128x128xf32, #tpu.memory_space<vmem>>[vector<16xi32>, vector<16xi32>], vector<16xf32>,
        %gather3A_229 = tpu.vector_load_idx %arg6[%add3A_26, %add3A_221] : memref<128x128xf32, #tpu.memory_space<vmem>>[vector<16xi32>, vector<16xi32>], vector<16xf32>,
        tpu.vector_store_idx %arg10[%add3A_221, %add3A_5], %gather3A_222 : memref<64x128xf32, #tpu.memory_space<vmem>>[vector<16xi32>, vector<16xi32>], vector<16xf32>,
        tpu.vector_store_idx %arg10[%add3A_221, %add3A_8], %gather3A_223 : memref<64x128xf32, #tpu.memory_space<vmem>>[vector<16xi32>, vector<16xi32>], vector<16xf32>,
        tpu.vector_store_idx %arg10[%add3A_221, %add3A_11], %gather3A_224 : memref<64x128xf32, #tpu.memory_space<vmem>>[vector<16xi32>, vector<16xi32>], vector<16xf32>,
        tpu.vector_store_idx %arg10[%add3A_221, %add3A_14], %gather3A_225 : memref<64x128xf32, #tpu.memory_space<vmem>>[vector<16xi32>, vector<16xi32>], vector<16xf32>,
        tpu.vector_store_idx %arg10[%add3A_221, %add3A_17], %gather3A_226 : memref<64x128xf32, #tpu.memory_space<vmem>>[vector<16xi32>, vector<16xi32>], vector<16xf32>,
        tpu.vector_store_idx %arg10[%add3A_221, %add3A_20], %gather3A_227 : memref<64x128xf32, #tpu.memory_space<vmem>>[vector<16xi32>, vector<16xi32>], vector<16xf32>,
        tpu.vector_store_idx %arg10[%add3A_221, %add3A_23], %gather3A_228 : memref<64x128xf32, #tpu.memory_space<vmem>>[vector<16xi32>, vector<16xi32>], vector<16xf32>,
        tpu.vector_store_idx %arg10[%add3A_221, %add3A_26], %gather3A_229 : memref<64x128xf32, #tpu.memory_space<vmem>>[vector<16xi32>, vector<16xi32>], vector<16xf32>,
        %add3A_230 = arith.constant 32 : i32
        %add3A_231 = vector.broadcast %add3A_230 : i32 to vector<16xi32>
        %add3A_232 = arith.addi %and3A_208, %add3A_231 : vector<16xi32>
        %gather3A_233 = tpu.vector_load_idx %arg6[%add3A_5, %add3A_232] : memref<128x128xf32, #tpu.memory_space<vmem>>[vector<16xi32>, vector<16xi32>], vector<16xf32>,
        %gather3A_234 = tpu.vector_load_idx %arg6[%add3A_8, %add3A_232] : memref<128x128xf32, #tpu.memory_space<vmem>>[vector<16xi32>, vector<16xi32>], vector<16xf32>,
        %gather3A_235 = tpu.vector_load_idx %arg6[%add3A_11, %add3A_232] : memref<128x128xf32, #tpu.memory_space<vmem>>[vector<16xi32>, vector<16xi32>], vector<16xf32>,
        %gather3A_236 = tpu.vector_load_idx %arg6[%add3A_14, %add3A_232] : memref<128x128xf32, #tpu.memory_space<vmem>>[vector<16xi32>, vector<16xi32>], vector<16xf32>,
        %gather3A_237 = tpu.vector_load_idx %arg6[%add3A_17, %add3A_232] : memref<128x128xf32, #tpu.memory_space<vmem>>[vector<16xi32>, vector<16xi32>], vector<16xf32>,
        %gather3A_238 = tpu.vector_load_idx %arg6[%add3A_20, %add3A_232] : memref<128x128xf32, #tpu.memory_space<vmem>>[vector<16xi32>, vector<16xi32>], vector<16xf32>,
        %gather3A_239 = tpu.vector_load_idx %arg6[%add3A_23, %add3A_232] : memref<128x128xf32, #tpu.memory_space<vmem>>[vector<16xi32>, vector<16xi32>], vector<16xf32>,
        %gather3A_240 = tpu.vector_load_idx %arg6[%add3A_26, %add3A_232] : memref<128x128xf32, #tpu.memory_space<vmem>>[vector<16xi32>, vector<16xi32>], vector<16xf32>,
        tpu.vector_store_idx %arg10[%add3A_232, %add3A_5], %gather3A_233 : memref<64x128xf32, #tpu.memory_space<vmem>>[vector<16xi32>, vector<16xi32>], vector<16xf32>,
        tpu.vector_store_idx %arg10[%add3A_232, %add3A_8], %gather3A_234 : memref<64x128xf32, #tpu.memory_space<vmem>>[vector<16xi32>, vector<16xi32>], vector<16xf32>,
        tpu.vector_store_idx %arg10[%add3A_232, %add3A_11], %gather3A_235 : memref<64x128xf32, #tpu.memory_space<vmem>>[vector<16xi32>, vector<16xi32>], vector<16xf32>,
        tpu.vector_store_idx %arg10[%add3A_232, %add3A_14], %gather3A_236 : memref<64x128xf32, #tpu.memory_space<vmem>>[vector<16xi32>, vector<16xi32>], vector<16xf32>,
        tpu.vector_store_idx %arg10[%add3A_232, %add3A_17], %gather3A_237 : memref<64x128xf32, #tpu.memory_space<vmem>>[vector<16xi32>, vector<16xi32>], vector<16xf32>,
        tpu.vector_store_idx %arg10[%add3A_232, %add3A_20], %gather3A_238 : memref<64x128xf32, #tpu.memory_space<vmem>>[vector<16xi32>, vector<16xi32>], vector<16xf32>,
        tpu.vector_store_idx %arg10[%add3A_232, %add3A_23], %gather3A_239 : memref<64x128xf32, #tpu.memory_space<vmem>>[vector<16xi32>, vector<16xi32>], vector<16xf32>,
        tpu.vector_store_idx %arg10[%add3A_232, %add3A_26], %gather3A_240 : memref<64x128xf32, #tpu.memory_space<vmem>>[vector<16xi32>, vector<16xi32>], vector<16xf32>,
        %add3A_241 = arith.constant 48 : i32
        %add3A_242 = vector.broadcast %add3A_241 : i32 to vector<16xi32>
        %add3A_243 = arith.addi %and3A_208, %add3A_242 : vector<16xi32>
        %gather3A_244 = tpu.vector_load_idx %arg6[%add3A_5, %add3A_243] : memref<128x128xf32, #tpu.memory_space<vmem>>[vector<16xi32>, vector<16xi32>], vector<16xf32>,
        %gather3A_245 = tpu.vector_load_idx %arg6[%add3A_8, %add3A_243] : memref<128x128xf32, #tpu.memory_space<vmem>>[vector<16xi32>, vector<16xi32>], vector<16xf32>,
        %gather3A_246 = tpu.vector_load_idx %arg6[%add3A_11, %add3A_243] : memref<128x128xf32, #tpu.memory_space<vmem>>[vector<16xi32>, vector<16xi32>], vector<16xf32>,
        %gather3A_247 = tpu.vector_load_idx %arg6[%add3A_14, %add3A_243] : memref<128x128xf32, #tpu.memory_space<vmem>>[vector<16xi32>, vector<16xi32>], vector<16xf32>,
        %gather3A_248 = tpu.vector_load_idx %arg6[%add3A_17, %add3A_243] : memref<128x128xf32, #tpu.memory_space<vmem>>[vector<16xi32>, vector<16xi32>], vector<16xf32>,
        %gather3A_249 = tpu.vector_load_idx %arg6[%add3A_20, %add3A_243] : memref<128x128xf32, #tpu.memory_space<vmem>>[vector<16xi32>, vector<16xi32>], vector<16xf32>,
        %gather3A_250 = tpu.vector_load_idx %arg6[%add3A_23, %add3A_243] : memref<128x128xf32, #tpu.memory_space<vmem>>[vector<16xi32>, vector<16xi32>], vector<16xf32>,
        %gather3A_251 = tpu.vector_load_idx %arg6[%add3A_26, %add3A_243] : memref<128x128xf32, #tpu.memory_space<vmem>>[vector<16xi32>, vector<16xi32>], vector<16xf32>,
        tpu.vector_store_idx %arg10[%add3A_243, %add3A_5], %gather3A_244 : memref<64x128xf32, #tpu.memory_space<vmem>>[vector<16xi32>, vector<16xi32>], vector<16xf32>,
        tpu.vector_store_idx %arg10[%add3A_243, %add3A_8], %gather3A_245 : memref<64x128xf32, #tpu.memory_space<vmem>>[vector<16xi32>, vector<16xi32>], vector<16xf32>,
        tpu.vector_store_idx %arg10[%add3A_243, %add3A_11], %gather3A_246 : memref<64x128xf32, #tpu.memory_space<vmem>>[vector<16xi32>, vector<16xi32>], vector<16xf32>,
        tpu.vector_store_idx %arg10[%add3A_243, %add3A_14], %gather3A_247 : memref<64x128xf32, #tpu.memory_space<vmem>>[vector<16xi32>, vector<16xi32>], vector<16xf32>,
        tpu.vector_store_idx %arg10[%add3A_243, %add3A_17], %gather3A_248 : memref<64x128xf32, #tpu.memory_space<vmem>>[vector<16xi32>, vector<16xi32>], vector<16xf32>,
        tpu.vector_store_idx %arg10[%add3A_243, %add3A_20], %gather3A_249 : memref<64x128xf32, #tpu.memory_space<vmem>>[vector<16xi32>, vector<16xi32>], vector<16xf32>,
        tpu.vector_store_idx %arg10[%add3A_243, %add3A_23], %gather3A_250 : memref<64x128xf32, #tpu.memory_space<vmem>>[vector<16xi32>, vector<16xi32>], vector<16xf32>,
        tpu.vector_store_idx %arg10[%add3A_243, %add3A_26], %gather3A_251 : memref<64x128xf32, #tpu.memory_space<vmem>>[vector<16xi32>, vector<16xi32>], vector<16xf32>,
        %scan3A_252 = arith.constant 0 : i32
        scf.yield %scan3A_252 : i32
      }
      %scan3A_96 = arith.constant 16 : i32
      %dma_start3A_97 = arith.constant 0 : i32
      %dma_start3A_98 = tpu.memref_slice %arg4[%add3A_75, %dma_start3A_97, %mul3A_2] : memref<200x64x4096xf32, #tpu.memory_space<hbm>> -> memref<1x64x128xf32, #tpu.memory_space<hbm>>
      %dma_start3A_99 = tpu.memref_squeeze %dma_start3A_98 : memref<1x64x128xf32, #tpu.memory_space<hbm>> -> memref<64x128xf32, #tpu.memory_space<hbm>>
      %dma_start3A_100 = arith.constant 0 : i32
      %dma_start3A_101 = tpu.memref_slice %arg4[%add3A_75, %dma_start3A_100, %mul3A_2] : memref<200x64x4096xf32, #tpu.memory_space<hbm>> -> memref<1x64x128xf32, #tpu.memory_space<hbm>>
      %dma_start3A_102 = tpu.memref_squeeze %dma_start3A_101 : memref<1x64x128xf32, #tpu.memory_space<hbm>> -> memref<64x128xf32, #tpu.memory_space<hbm>>
      tpu.enqueue_dma source(%arg10 : memref<64x128xf32, #tpu.memory_space<vmem>>) target(%dma_start3A_102 : memref<64x128xf32, #tpu.memory_space<hbm>>) target_semaphore(%arg16 : memref<!tpu.dma_semaphore, #tpu.memory_space<semaphore_mem>>)
      %add3A_103 = arith.constant 1 : i32
      %add3A_104 = arith.addi %mul3A_73, %add3A_103 : i32
      %dma_wait3A_105 = arith.constant 0 : i32
      %dma_wait3A_106 = arith.constant 0 : i32
      %dma_wait3A_107 = tpu.memref_slice %arg2[%dma_wait3A_105, %dma_wait3A_106] : memref<100000x128xf32, #tpu.memory_space<hbm>> -> memref<128x128xf32, #tpu.memory_space<hbm>>
      %dma_wait3A_108 = arith.constant 0 : i32
      %dma_wait3A_109 = arith.constant 0 : i32
      %dma_wait3A_110 = tpu.memref_slice %arg2[%dma_wait3A_108, %dma_wait3A_109] : memref<100000x128xf32, #tpu.memory_space<hbm>> -> memref<128x128xf32, #tpu.memory_space<hbm>>
      tpu.wait_dma2 semaphore(%arg13 : memref<!tpu.dma_semaphore, #tpu.memory_space<semaphore_mem>>) src(%dma_wait3A_110 : memref<128x128xf32, #tpu.memory_space<hbm>>) dst(%arg7 : memref<128x128xf32, #tpu.memory_space<vmem>>)
      %add3A_111 = arith.constant 3 : i32
      %add3A_112 = arith.addi %add3A_104, %add3A_111 : i32
      %lt3A_113 = arith.constant 200 : i32
      %lt3A_114 = arith.cmpi slt, %add3A_112, %lt3A_113 : i32
      %convert_element_type3A_115 = arith.extui %lt3A_114 : i1 to i32
      %cond3A_116 = arith.constant 0 : i32
      %cond3A_117 = arith.cmpi ne, %convert_element_type3A_115, %cond3A_116 : i32
      scf.if %cond3A_117 {
        %add3A_203 = arith.constant 3 : i32
        %add3A_204 = arith.addi %add3A_104, %add3A_203 : i32
        %dma_start3A_205 = arith.constant 0 : i32
        %dma_start3A_206 = tpu.memref_slice %arg5[%add3A_204, %dma_start3A_205] : memref<200x128xi32, #tpu.memory_space<vmem>> -> memref<1x128xi32, #tpu.memory_space<vmem>>
        %dma_start3A_207 = tpu.memref_squeeze %dma_start3A_206 : memref<1x128xi32, #tpu.memory_space<vmem>> -> memref<128xi32, #tpu.memory_space<vmem>>
        %dma_start3A_208 = arith.constant 0 : i32
        %dma_start3A_209 = arith.constant 0 : i32
        %dma_start3A_210 = tpu.memref_slice %arg2[%dma_start3A_208, %dma_start3A_209] : memref<100000x128xf32, #tpu.memory_space<hbm>> -> memref<100000x128xf32, #tpu.memory_space<hbm>>
        tpu.enqueue_indirect_dma source(%dma_start3A_210 : memref<100000x128xf32, #tpu.memory_space<hbm>>) target(%arg6 : memref<128x128xf32, #tpu.memory_space<vmem>>) offsets(%dma_start3A_207 : memref<128xi32, #tpu.memory_space<vmem>>) semaphore(%arg12 : memref<!tpu.dma_semaphore, #tpu.memory_space<semaphore_mem>>)
      } else {
      }
      %ge3A_118 = arith.constant 2 : i32
      %ge3A_119 = arith.cmpi sge, %add3A_104, %ge3A_118 : i32
      %convert_element_type3A_120 = arith.extui %ge3A_119 : i1 to i32
      %cond3A_121 = arith.constant 0 : i32
      %cond3A_122 = arith.cmpi ne, %convert_element_type3A_120, %cond3A_121 : i32
      scf.if %cond3A_122 {
        %dma_wait3A_203 = arith.constant 0 : i32
        %dma_wait3A_204 = arith.constant 0 : i32
        %dma_wait3A_205 = arith.constant 0 : i32
        %dma_wait3A_206 = tpu.memref_slice %arg4[%dma_wait3A_203, %dma_wait3A_204, %dma_wait3A_205] : memref<200x64x4096xf32, #tpu.memory_space<hbm>> -> memref<1x64x128xf32, #tpu.memory_space<hbm>>
        %dma_wait3A_207 = tpu.memref_squeeze %dma_wait3A_206 : memref<1x64x128xf32, #tpu.memory_space<hbm>> -> memref<64x128xf32, #tpu.memory_space<hbm>>
        %dma_wait3A_208 = arith.constant 0 : i32
        %dma_wait3A_209 = arith.constant 0 : i32
        %dma_wait3A_210 = tpu.memref_slice %arg4[%dma_wait3A_203, %dma_wait3A_208, %dma_wait3A_209] : memref<200x64x4096xf32, #tpu.memory_space<hbm>> -> memref<1x64x128xf32, #tpu.memory_space<hbm>>
        %dma_wait3A_211 = tpu.memref_squeeze %dma_wait3A_210 : memref<1x64x128xf32, #tpu.memory_space<hbm>> -> memref<64x128xf32, #tpu.memory_space<hbm>>
        tpu.wait_dma2 semaphore(%arg17 : memref<!tpu.dma_semaphore, #tpu.memory_space<semaphore_mem>>) src(%arg11 : memref<64x128xf32, #tpu.memory_space<vmem>>) dst(%dma_wait3A_211 : memref<64x128xf32, #tpu.memory_space<hbm>>)
      } else {
      }
      %scan3A_123 = arith.constant 0 : i32
      %scan3A_124 = arith.constant 0 : i32
      %scan3A_125 = arith.constant 16 : i32
      %scan3A_126 = arith.addi %scan3A_124, %scan3A_125 : i32
      %scan3A_127 = arith.constant 1 : i32
      %scan3A_128 = scf.for %scan3A_203 = %scan3A_124 to %scan3A_126 step %scan3A_127 iter_args(%scan3A_204 = %scan3A_123) -> (i32)  : i32 {
        %add3A_205 = vector.broadcast %scan3A_203 : i32 to vector<16xi32>
        %add3A_206 = arith.addi %add3A_205, %iota3A : vector<16xi32>
        %and3A = arith.constant 15 : i32
        %and3A_207 = vector.broadcast %and3A : i32 to vector<16xi32>
        %and3A_208 = arith.andi %add3A_206, %and3A_207 : vector<16xi32>
        %add3A_209 = arith.constant 0 : i32
        %add3A_210 = vector.broadcast %add3A_209 : i32 to vector<16xi32>
        %add3A_211 = arith.addi %and3A_208, %add3A_210 : vector<16xi32>
        %gather3A = tpu.vector_load_idx %arg7[%add3A_5, %add3A_211] : memref<128x128xf32, #tpu.memory_space<vmem>>[vector<16xi32>, vector<16xi32>], vector<16xf32>,
        %gather3A_212 = tpu.vector_load_idx %arg7[%add3A_8, %add3A_211] : memref<128x128xf32, #tpu.memory_space<vmem>>[vector<16xi32>, vector<16xi32>], vector<16xf32>,
        %gather3A_213 = tpu.vector_load_idx %arg7[%add3A_11, %add3A_211] : memref<128x128xf32, #tpu.memory_space<vmem>>[vector<16xi32>, vector<16xi32>], vector<16xf32>,
        %gather3A_214 = tpu.vector_load_idx %arg7[%add3A_14, %add3A_211] : memref<128x128xf32, #tpu.memory_space<vmem>>[vector<16xi32>, vector<16xi32>], vector<16xf32>,
        %gather3A_215 = tpu.vector_load_idx %arg7[%add3A_17, %add3A_211] : memref<128x128xf32, #tpu.memory_space<vmem>>[vector<16xi32>, vector<16xi32>], vector<16xf32>,
        %gather3A_216 = tpu.vector_load_idx %arg7[%add3A_20, %add3A_211] : memref<128x128xf32, #tpu.memory_space<vmem>>[vector<16xi32>, vector<16xi32>], vector<16xf32>,
        %gather3A_217 = tpu.vector_load_idx %arg7[%add3A_23, %add3A_211] : memref<128x128xf32, #tpu.memory_space<vmem>>[vector<16xi32>, vector<16xi32>], vector<16xf32>,
        %gather3A_218 = tpu.vector_load_idx %arg7[%add3A_26, %add3A_211] : memref<128x128xf32, #tpu.memory_space<vmem>>[vector<16xi32>, vector<16xi32>], vector<16xf32>,
        tpu.vector_store_idx %arg11[%add3A_211, %add3A_5], %gather3A : memref<64x128xf32, #tpu.memory_space<vmem>>[vector<16xi32>, vector<16xi32>], vector<16xf32>,
        tpu.vector_store_idx %arg11[%add3A_211, %add3A_8], %gather3A_212 : memref<64x128xf32, #tpu.memory_space<vmem>>[vector<16xi32>, vector<16xi32>], vector<16xf32>,
        tpu.vector_store_idx %arg11[%add3A_211, %add3A_11], %gather3A_213 : memref<64x128xf32, #tpu.memory_space<vmem>>[vector<16xi32>, vector<16xi32>], vector<16xf32>,
        tpu.vector_store_idx %arg11[%add3A_211, %add3A_14], %gather3A_214 : memref<64x128xf32, #tpu.memory_space<vmem>>[vector<16xi32>, vector<16xi32>], vector<16xf32>,
        tpu.vector_store_idx %arg11[%add3A_211, %add3A_17], %gather3A_215 : memref<64x128xf32, #tpu.memory_space<vmem>>[vector<16xi32>, vector<16xi32>], vector<16xf32>,
        tpu.vector_store_idx %arg11[%add3A_211, %add3A_20], %gather3A_216 : memref<64x128xf32, #tpu.memory_space<vmem>>[vector<16xi32>, vector<16xi32>], vector<16xf32>,
        tpu.vector_store_idx %arg11[%add3A_211, %add3A_23], %gather3A_217 : memref<64x128xf32, #tpu.memory_space<vmem>>[vector<16xi32>, vector<16xi32>], vector<16xf32>,
        tpu.vector_store_idx %arg11[%add3A_211, %add3A_26], %gather3A_218 : memref<64x128xf32, #tpu.memory_space<vmem>>[vector<16xi32>, vector<16xi32>], vector<16xf32>,
        %add3A_219 = arith.constant 16 : i32
        %add3A_220 = vector.broadcast %add3A_219 : i32 to vector<16xi32>
        %add3A_221 = arith.addi %and3A_208, %add3A_220 : vector<16xi32>
        %gather3A_222 = tpu.vector_load_idx %arg7[%add3A_5, %add3A_221] : memref<128x128xf32, #tpu.memory_space<vmem>>[vector<16xi32>, vector<16xi32>], vector<16xf32>,
        %gather3A_223 = tpu.vector_load_idx %arg7[%add3A_8, %add3A_221] : memref<128x128xf32, #tpu.memory_space<vmem>>[vector<16xi32>, vector<16xi32>], vector<16xf32>,
        %gather3A_224 = tpu.vector_load_idx %arg7[%add3A_11, %add3A_221] : memref<128x128xf32, #tpu.memory_space<vmem>>[vector<16xi32>, vector<16xi32>], vector<16xf32>,
        %gather3A_225 = tpu.vector_load_idx %arg7[%add3A_14, %add3A_221] : memref<128x128xf32, #tpu.memory_space<vmem>>[vector<16xi32>, vector<16xi32>], vector<16xf32>,
        %gather3A_226 = tpu.vector_load_idx %arg7[%add3A_17, %add3A_221] : memref<128x128xf32, #tpu.memory_space<vmem>>[vector<16xi32>, vector<16xi32>], vector<16xf32>,
        %gather3A_227 = tpu.vector_load_idx %arg7[%add3A_20, %add3A_221] : memref<128x128xf32, #tpu.memory_space<vmem>>[vector<16xi32>, vector<16xi32>], vector<16xf32>,
        %gather3A_228 = tpu.vector_load_idx %arg7[%add3A_23, %add3A_221] : memref<128x128xf32, #tpu.memory_space<vmem>>[vector<16xi32>, vector<16xi32>], vector<16xf32>,
        %gather3A_229 = tpu.vector_load_idx %arg7[%add3A_26, %add3A_221] : memref<128x128xf32, #tpu.memory_space<vmem>>[vector<16xi32>, vector<16xi32>], vector<16xf32>,
        tpu.vector_store_idx %arg11[%add3A_221, %add3A_5], %gather3A_222 : memref<64x128xf32, #tpu.memory_space<vmem>>[vector<16xi32>, vector<16xi32>], vector<16xf32>,
        tpu.vector_store_idx %arg11[%add3A_221, %add3A_8], %gather3A_223 : memref<64x128xf32, #tpu.memory_space<vmem>>[vector<16xi32>, vector<16xi32>], vector<16xf32>,
        tpu.vector_store_idx %arg11[%add3A_221, %add3A_11], %gather3A_224 : memref<64x128xf32, #tpu.memory_space<vmem>>[vector<16xi32>, vector<16xi32>], vector<16xf32>,
        tpu.vector_store_idx %arg11[%add3A_221, %add3A_14], %gather3A_225 : memref<64x128xf32, #tpu.memory_space<vmem>>[vector<16xi32>, vector<16xi32>], vector<16xf32>,
        tpu.vector_store_idx %arg11[%add3A_221, %add3A_17], %gather3A_226 : memref<64x128xf32, #tpu.memory_space<vmem>>[vector<16xi32>, vector<16xi32>], vector<16xf32>,
        tpu.vector_store_idx %arg11[%add3A_221, %add3A_20], %gather3A_227 : memref<64x128xf32, #tpu.memory_space<vmem>>[vector<16xi32>, vector<16xi32>], vector<16xf32>,
        tpu.vector_store_idx %arg11[%add3A_221, %add3A_23], %gather3A_228 : memref<64x128xf32, #tpu.memory_space<vmem>>[vector<16xi32>, vector<16xi32>], vector<16xf32>,
        tpu.vector_store_idx %arg11[%add3A_221, %add3A_26], %gather3A_229 : memref<64x128xf32, #tpu.memory_space<vmem>>[vector<16xi32>, vector<16xi32>], vector<16xf32>,
        %add3A_230 = arith.constant 32 : i32
        %add3A_231 = vector.broadcast %add3A_230 : i32 to vector<16xi32>
        %add3A_232 = arith.addi %and3A_208, %add3A_231 : vector<16xi32>
        %gather3A_233 = tpu.vector_load_idx %arg7[%add3A_5, %add3A_232] : memref<128x128xf32, #tpu.memory_space<vmem>>[vector<16xi32>, vector<16xi32>], vector<16xf32>,
        %gather3A_234 = tpu.vector_load_idx %arg7[%add3A_8, %add3A_232] : memref<128x128xf32, #tpu.memory_space<vmem>>[vector<16xi32>, vector<16xi32>], vector<16xf32>,
        %gather3A_235 = tpu.vector_load_idx %arg7[%add3A_11, %add3A_232] : memref<128x128xf32, #tpu.memory_space<vmem>>[vector<16xi32>, vector<16xi32>], vector<16xf32>,
        %gather3A_236 = tpu.vector_load_idx %arg7[%add3A_14, %add3A_232] : memref<128x128xf32, #tpu.memory_space<vmem>>[vector<16xi32>, vector<16xi32>], vector<16xf32>,
        %gather3A_237 = tpu.vector_load_idx %arg7[%add3A_17, %add3A_232] : memref<128x128xf32, #tpu.memory_space<vmem>>[vector<16xi32>, vector<16xi32>], vector<16xf32>,
        %gather3A_238 = tpu.vector_load_idx %arg7[%add3A_20, %add3A_232] : memref<128x128xf32, #tpu.memory_space<vmem>>[vector<16xi32>, vector<16xi32>], vector<16xf32>,
        %gather3A_239 = tpu.vector_load_idx %arg7[%add3A_23, %add3A_232] : memref<128x128xf32, #tpu.memory_space<vmem>>[vector<16xi32>, vector<16xi32>], vector<16xf32>,
        %gather3A_240 = tpu.vector_load_idx %arg7[%add3A_26, %add3A_232] : memref<128x128xf32, #tpu.memory_space<vmem>>[vector<16xi32>, vector<16xi32>], vector<16xf32>,
        tpu.vector_store_idx %arg11[%add3A_232, %add3A_5], %gather3A_233 : memref<64x128xf32, #tpu.memory_space<vmem>>[vector<16xi32>, vector<16xi32>], vector<16xf32>,
        tpu.vector_store_idx %arg11[%add3A_232, %add3A_8], %gather3A_234 : memref<64x128xf32, #tpu.memory_space<vmem>>[vector<16xi32>, vector<16xi32>], vector<16xf32>,
        tpu.vector_store_idx %arg11[%add3A_232, %add3A_11], %gather3A_235 : memref<64x128xf32, #tpu.memory_space<vmem>>[vector<16xi32>, vector<16xi32>], vector<16xf32>,
        tpu.vector_store_idx %arg11[%add3A_232, %add3A_14], %gather3A_236 : memref<64x128xf32, #tpu.memory_space<vmem>>[vector<16xi32>, vector<16xi32>], vector<16xf32>,
        tpu.vector_store_idx %arg11[%add3A_232, %add3A_17], %gather3A_237 : memref<64x128xf32, #tpu.memory_space<vmem>>[vector<16xi32>, vector<16xi32>], vector<16xf32>,
        tpu.vector_store_idx %arg11[%add3A_232, %add3A_20], %gather3A_238 : memref<64x128xf32, #tpu.memory_space<vmem>>[vector<16xi32>, vector<16xi32>], vector<16xf32>,
        tpu.vector_store_idx %arg11[%add3A_232, %add3A_23], %gather3A_239 : memref<64x128xf32, #tpu.memory_space<vmem>>[vector<16xi32>, vector<16xi32>], vector<16xf32>,
        tpu.vector_store_idx %arg11[%add3A_232, %add3A_26], %gather3A_240 : memref<64x128xf32, #tpu.memory_space<vmem>>[vector<16xi32>, vector<16xi32>], vector<16xf32>,
        %add3A_241 = arith.constant 48 : i32
        %add3A_242 = vector.broadcast %add3A_241 : i32 to vector<16xi32>
        %add3A_243 = arith.addi %and3A_208, %add3A_242 : vector<16xi32>
        %gather3A_244 = tpu.vector_load_idx %arg7[%add3A_5, %add3A_243] : memref<128x128xf32, #tpu.memory_space<vmem>>[vector<16xi32>, vector<16xi32>], vector<16xf32>,
        %gather3A_245 = tpu.vector_load_idx %arg7[%add3A_8, %add3A_243] : memref<128x128xf32, #tpu.memory_space<vmem>>[vector<16xi32>, vector<16xi32>], vector<16xf32>,
        %gather3A_246 = tpu.vector_load_idx %arg7[%add3A_11, %add3A_243] : memref<128x128xf32, #tpu.memory_space<vmem>>[vector<16xi32>, vector<16xi32>], vector<16xf32>,
        %gather3A_247 = tpu.vector_load_idx %arg7[%add3A_14, %add3A_243] : memref<128x128xf32, #tpu.memory_space<vmem>>[vector<16xi32>, vector<16xi32>], vector<16xf32>,
        %gather3A_248 = tpu.vector_load_idx %arg7[%add3A_17, %add3A_243] : memref<128x128xf32, #tpu.memory_space<vmem>>[vector<16xi32>, vector<16xi32>], vector<16xf32>,
        %gather3A_249 = tpu.vector_load_idx %arg7[%add3A_20, %add3A_243] : memref<128x128xf32, #tpu.memory_space<vmem>>[vector<16xi32>, vector<16xi32>], vector<16xf32>,
        %gather3A_250 = tpu.vector_load_idx %arg7[%add3A_23, %add3A_243] : memref<128x128xf32, #tpu.memory_space<vmem>>[vector<16xi32>, vector<16xi32>], vector<16xf32>,
        %gather3A_251 = tpu.vector_load_idx %arg7[%add3A_26, %add3A_243] : memref<128x128xf32, #tpu.memory_space<vmem>>[vector<16xi32>, vector<16xi32>], vector<16xf32>,
        tpu.vector_store_idx %arg11[%add3A_243, %add3A_5], %gather3A_244 : memref<64x128xf32, #tpu.memory_space<vmem>>[vector<16xi32>, vector<16xi32>], vector<16xf32>,
        tpu.vector_store_idx %arg11[%add3A_243, %add3A_8], %gather3A_245 : memref<64x128xf32, #tpu.memory_space<vmem>>[vector<16xi32>, vector<16xi32>], vector<16xf32>,
        tpu.vector_store_idx %arg11[%add3A_243, %add3A_11], %gather3A_246 : memref<64x128xf32, #tpu.memory_space<vmem>>[vector<16xi32>, vector<16xi32>], vector<16xf32>,
        tpu.vector_store_idx %arg11[%add3A_243, %add3A_14], %gather3A_247 : memref<64x128xf32, #tpu.memory_space<vmem>>[vector<16xi32>, vector<16xi32>], vector<16xf32>,
        tpu.vector_store_idx %arg11[%add3A_243, %add3A_17], %gather3A_248 : memref<64x128xf32, #tpu.memory_space<vmem>>[vector<16xi32>, vector<16xi32>], vector<16xf32>,
        tpu.vector_store_idx %arg11[%add3A_243, %add3A_20], %gather3A_249 : memref<64x128xf32, #tpu.memory_space<vmem>>[vector<16xi32>, vector<16xi32>], vector<16xf32>,
        tpu.vector_store_idx %arg11[%add3A_243, %add3A_23], %gather3A_250 : memref<64x128xf32, #tpu.memory_space<vmem>>[vector<16xi32>, vector<16xi32>], vector<16xf32>,
        tpu.vector_store_idx %arg11[%add3A_243, %add3A_26], %gather3A_251 : memref<64x128xf32, #tpu.memory_space<vmem>>[vector<16xi32>, vector<16xi32>], vector<16xf32>,
        %scan3A_252 = arith.constant 0 : i32
        scf.yield %scan3A_252 : i32
      }
      %scan3A_129 = arith.constant 16 : i32
      %dma_start3A_130 = arith.constant 0 : i32
      %dma_start3A_131 = tpu.memref_slice %arg4[%add3A_104, %dma_start3A_130, %mul3A_2] : memref<200x64x4096xf32, #tpu.memory_space<hbm>> -> memref<1x64x128xf32, #tpu.memory_space<hbm>>
      %dma_start3A_132 = tpu.memref_squeeze %dma_start3A_131 : memref<1x64x128xf32, #tpu.memory_space<hbm>> -> memref<64x128xf32, #tpu.memory_space<hbm>>
      %dma_start3A_133 = arith.constant 0 : i32
      %dma_start3A_134 = tpu.memref_slice %arg4[%add3A_104, %dma_start3A_133, %mul3A_2] : memref<200x64x4096xf32, #tpu.memory_space<hbm>> -> memref<1x64x128xf32, #tpu.memory_space<hbm>>
      %dma_start3A_135 = tpu.memref_squeeze %dma_start3A_134 : memref<1x64x128xf32, #tpu.memory_space<hbm>> -> memref<64x128xf32, #tpu.memory_space<hbm>>
      tpu.enqueue_dma source(%arg11 : memref<64x128xf32, #tpu.memory_space<vmem>>) target(%dma_start3A_135 : memref<64x128xf32, #tpu.memory_space<hbm>>) target_semaphore(%arg17 : memref<!tpu.dma_semaphore, #tpu.memory_space<semaphore_mem>>)
      %add3A_136 = arith.constant 2 : i32
      %add3A_137 = arith.addi %mul3A_73, %add3A_136 : i32
      %dma_wait3A_138 = arith.constant 0 : i32
      %dma_wait3A_139 = arith.constant 0 : i32
      %dma_wait3A_140 = tpu.memref_slice %arg2[%dma_wait3A_138, %dma_wait3A_139] : memref<100000x128xf32, #tpu.memory_space<hbm>> -> memref<128x128xf32, #tpu.memory_space<hbm>>
      %dma_wait3A_141 = arith.constant 0 : i32
      %dma_wait3A_142 = arith.constant 0 : i32
      %dma_wait3A_143 = tpu.memref_slice %arg2[%dma_wait3A_141, %dma_wait3A_142] : memref<100000x128xf32, #tpu.memory_space<hbm>> -> memref<128x128xf32, #tpu.memory_space<hbm>>
      tpu.wait_dma2 semaphore(%arg14 : memref<!tpu.dma_semaphore, #tpu.memory_space<semaphore_mem>>) src(%dma_wait3A_143 : memref<128x128xf32, #tpu.memory_space<hbm>>) dst(%arg8 : memref<128x128xf32, #tpu.memory_space<vmem>>)
      %add3A_144 = arith.constant 3 : i32
      %add3A_145 = arith.addi %add3A_137, %add3A_144 : i32
      %lt3A_146 = arith.constant 200 : i32
      %lt3A_147 = arith.cmpi slt, %add3A_145, %lt3A_146 : i32
      %convert_element_type3A_148 = arith.extui %lt3A_147 : i1 to i32
      %cond3A_149 = arith.constant 0 : i32
      %cond3A_150 = arith.cmpi ne, %convert_element_type3A_148, %cond3A_149 : i32
      scf.if %cond3A_150 {
        %add3A_203 = arith.constant 3 : i32
        %add3A_204 = arith.addi %add3A_137, %add3A_203 : i32
        %dma_start3A_205 = arith.constant 0 : i32
        %dma_start3A_206 = tpu.memref_slice %arg5[%add3A_204, %dma_start3A_205] : memref<200x128xi32, #tpu.memory_space<vmem>> -> memref<1x128xi32, #tpu.memory_space<vmem>>
        %dma_start3A_207 = tpu.memref_squeeze %dma_start3A_206 : memref<1x128xi32, #tpu.memory_space<vmem>> -> memref<128xi32, #tpu.memory_space<vmem>>
        %dma_start3A_208 = arith.constant 0 : i32
        %dma_start3A_209 = arith.constant 0 : i32
        %dma_start3A_210 = tpu.memref_slice %arg2[%dma_start3A_208, %dma_start3A_209] : memref<100000x128xf32, #tpu.memory_space<hbm>> -> memref<100000x128xf32, #tpu.memory_space<hbm>>
        tpu.enqueue_indirect_dma source(%dma_start3A_210 : memref<100000x128xf32, #tpu.memory_space<hbm>>) target(%arg7 : memref<128x128xf32, #tpu.memory_space<vmem>>) offsets(%dma_start3A_207 : memref<128xi32, #tpu.memory_space<vmem>>) semaphore(%arg13 : memref<!tpu.dma_semaphore, #tpu.memory_space<semaphore_mem>>)
      } else {
      }
      %ge3A_151 = arith.constant 2 : i32
      %ge3A_152 = arith.cmpi sge, %add3A_137, %ge3A_151 : i32
      %convert_element_type3A_153 = arith.extui %ge3A_152 : i1 to i32
      %cond3A_154 = arith.constant 0 : i32
      %cond3A_155 = arith.cmpi ne, %convert_element_type3A_153, %cond3A_154 : i32
      scf.if %cond3A_155 {
        %dma_wait3A_203 = arith.constant 0 : i32
        %dma_wait3A_204 = arith.constant 0 : i32
        %dma_wait3A_205 = arith.constant 0 : i32
        %dma_wait3A_206 = tpu.memref_slice %arg4[%dma_wait3A_203, %dma_wait3A_204, %dma_wait3A_205] : memref<200x64x4096xf32, #tpu.memory_space<hbm>> -> memref<1x64x128xf32, #tpu.memory_space<hbm>>
        %dma_wait3A_207 = tpu.memref_squeeze %dma_wait3A_206 : memref<1x64x128xf32, #tpu.memory_space<hbm>> -> memref<64x128xf32, #tpu.memory_space<hbm>>
        %dma_wait3A_208 = arith.constant 0 : i32
        %dma_wait3A_209 = arith.constant 0 : i32
        %dma_wait3A_210 = tpu.memref_slice %arg4[%dma_wait3A_203, %dma_wait3A_208, %dma_wait3A_209] : memref<200x64x4096xf32, #tpu.memory_space<hbm>> -> memref<1x64x128xf32, #tpu.memory_space<hbm>>
        %dma_wait3A_211 = tpu.memref_squeeze %dma_wait3A_210 : memref<1x64x128xf32, #tpu.memory_space<hbm>> -> memref<64x128xf32, #tpu.memory_space<hbm>>
        tpu.wait_dma2 semaphore(%arg16 : memref<!tpu.dma_semaphore, #tpu.memory_space<semaphore_mem>>) src(%arg10 : memref<64x128xf32, #tpu.memory_space<vmem>>) dst(%dma_wait3A_211 : memref<64x128xf32, #tpu.memory_space<hbm>>)
      } else {
      }
      %scan3A_156 = arith.constant 0 : i32
      %scan3A_157 = arith.constant 0 : i32
      %scan3A_158 = arith.constant 16 : i32
      %scan3A_159 = arith.addi %scan3A_157, %scan3A_158 : i32
      %scan3A_160 = arith.constant 1 : i32
      %scan3A_161 = scf.for %scan3A_203 = %scan3A_157 to %scan3A_159 step %scan3A_160 iter_args(%scan3A_204 = %scan3A_156) -> (i32)  : i32 {
        %add3A_205 = vector.broadcast %scan3A_203 : i32 to vector<16xi32>
        %add3A_206 = arith.addi %add3A_205, %iota3A : vector<16xi32>
        %and3A = arith.constant 15 : i32
        %and3A_207 = vector.broadcast %and3A : i32 to vector<16xi32>
        %and3A_208 = arith.andi %add3A_206, %and3A_207 : vector<16xi32>
        %add3A_209 = arith.constant 0 : i32
        %add3A_210 = vector.broadcast %add3A_209 : i32 to vector<16xi32>
        %add3A_211 = arith.addi %and3A_208, %add3A_210 : vector<16xi32>
        %gather3A = tpu.vector_load_idx %arg8[%add3A_5, %add3A_211] : memref<128x128xf32, #tpu.memory_space<vmem>>[vector<16xi32>, vector<16xi32>], vector<16xf32>,
        %gather3A_212 = tpu.vector_load_idx %arg8[%add3A_8, %add3A_211] : memref<128x128xf32, #tpu.memory_space<vmem>>[vector<16xi32>, vector<16xi32>], vector<16xf32>,
        %gather3A_213 = tpu.vector_load_idx %arg8[%add3A_11, %add3A_211] : memref<128x128xf32, #tpu.memory_space<vmem>>[vector<16xi32>, vector<16xi32>], vector<16xf32>,
        %gather3A_214 = tpu.vector_load_idx %arg8[%add3A_14, %add3A_211] : memref<128x128xf32, #tpu.memory_space<vmem>>[vector<16xi32>, vector<16xi32>], vector<16xf32>,
        %gather3A_215 = tpu.vector_load_idx %arg8[%add3A_17, %add3A_211] : memref<128x128xf32, #tpu.memory_space<vmem>>[vector<16xi32>, vector<16xi32>], vector<16xf32>,
        %gather3A_216 = tpu.vector_load_idx %arg8[%add3A_20, %add3A_211] : memref<128x128xf32, #tpu.memory_space<vmem>>[vector<16xi32>, vector<16xi32>], vector<16xf32>,
        %gather3A_217 = tpu.vector_load_idx %arg8[%add3A_23, %add3A_211] : memref<128x128xf32, #tpu.memory_space<vmem>>[vector<16xi32>, vector<16xi32>], vector<16xf32>,
        %gather3A_218 = tpu.vector_load_idx %arg8[%add3A_26, %add3A_211] : memref<128x128xf32, #tpu.memory_space<vmem>>[vector<16xi32>, vector<16xi32>], vector<16xf32>,
        tpu.vector_store_idx %arg10[%add3A_211, %add3A_5], %gather3A : memref<64x128xf32, #tpu.memory_space<vmem>>[vector<16xi32>, vector<16xi32>], vector<16xf32>,
        tpu.vector_store_idx %arg10[%add3A_211, %add3A_8], %gather3A_212 : memref<64x128xf32, #tpu.memory_space<vmem>>[vector<16xi32>, vector<16xi32>], vector<16xf32>,
        tpu.vector_store_idx %arg10[%add3A_211, %add3A_11], %gather3A_213 : memref<64x128xf32, #tpu.memory_space<vmem>>[vector<16xi32>, vector<16xi32>], vector<16xf32>,
        tpu.vector_store_idx %arg10[%add3A_211, %add3A_14], %gather3A_214 : memref<64x128xf32, #tpu.memory_space<vmem>>[vector<16xi32>, vector<16xi32>], vector<16xf32>,
        tpu.vector_store_idx %arg10[%add3A_211, %add3A_17], %gather3A_215 : memref<64x128xf32, #tpu.memory_space<vmem>>[vector<16xi32>, vector<16xi32>], vector<16xf32>,
        tpu.vector_store_idx %arg10[%add3A_211, %add3A_20], %gather3A_216 : memref<64x128xf32, #tpu.memory_space<vmem>>[vector<16xi32>, vector<16xi32>], vector<16xf32>,
        tpu.vector_store_idx %arg10[%add3A_211, %add3A_23], %gather3A_217 : memref<64x128xf32, #tpu.memory_space<vmem>>[vector<16xi32>, vector<16xi32>], vector<16xf32>,
        tpu.vector_store_idx %arg10[%add3A_211, %add3A_26], %gather3A_218 : memref<64x128xf32, #tpu.memory_space<vmem>>[vector<16xi32>, vector<16xi32>], vector<16xf32>,
        %add3A_219 = arith.constant 16 : i32
        %add3A_220 = vector.broadcast %add3A_219 : i32 to vector<16xi32>
        %add3A_221 = arith.addi %and3A_208, %add3A_220 : vector<16xi32>
        %gather3A_222 = tpu.vector_load_idx %arg8[%add3A_5, %add3A_221] : memref<128x128xf32, #tpu.memory_space<vmem>>[vector<16xi32>, vector<16xi32>], vector<16xf32>,
        %gather3A_223 = tpu.vector_load_idx %arg8[%add3A_8, %add3A_221] : memref<128x128xf32, #tpu.memory_space<vmem>>[vector<16xi32>, vector<16xi32>], vector<16xf32>,
        %gather3A_224 = tpu.vector_load_idx %arg8[%add3A_11, %add3A_221] : memref<128x128xf32, #tpu.memory_space<vmem>>[vector<16xi32>, vector<16xi32>], vector<16xf32>,
        %gather3A_225 = tpu.vector_load_idx %arg8[%add3A_14, %add3A_221] : memref<128x128xf32, #tpu.memory_space<vmem>>[vector<16xi32>, vector<16xi32>], vector<16xf32>,
        %gather3A_226 = tpu.vector_load_idx %arg8[%add3A_17, %add3A_221] : memref<128x128xf32, #tpu.memory_space<vmem>>[vector<16xi32>, vector<16xi32>], vector<16xf32>,
        %gather3A_227 = tpu.vector_load_idx %arg8[%add3A_20, %add3A_221] : memref<128x128xf32, #tpu.memory_space<vmem>>[vector<16xi32>, vector<16xi32>], vector<16xf32>,
        %gather3A_228 = tpu.vector_load_idx %arg8[%add3A_23, %add3A_221] : memref<128x128xf32, #tpu.memory_space<vmem>>[vector<16xi32>, vector<16xi32>], vector<16xf32>,
        %gather3A_229 = tpu.vector_load_idx %arg8[%add3A_26, %add3A_221] : memref<128x128xf32, #tpu.memory_space<vmem>>[vector<16xi32>, vector<16xi32>], vector<16xf32>,
        tpu.vector_store_idx %arg10[%add3A_221, %add3A_5], %gather3A_222 : memref<64x128xf32, #tpu.memory_space<vmem>>[vector<16xi32>, vector<16xi32>], vector<16xf32>,
        tpu.vector_store_idx %arg10[%add3A_221, %add3A_8], %gather3A_223 : memref<64x128xf32, #tpu.memory_space<vmem>>[vector<16xi32>, vector<16xi32>], vector<16xf32>,
        tpu.vector_store_idx %arg10[%add3A_221, %add3A_11], %gather3A_224 : memref<64x128xf32, #tpu.memory_space<vmem>>[vector<16xi32>, vector<16xi32>], vector<16xf32>,
        tpu.vector_store_idx %arg10[%add3A_221, %add3A_14], %gather3A_225 : memref<64x128xf32, #tpu.memory_space<vmem>>[vector<16xi32>, vector<16xi32>], vector<16xf32>,
        tpu.vector_store_idx %arg10[%add3A_221, %add3A_17], %gather3A_226 : memref<64x128xf32, #tpu.memory_space<vmem>>[vector<16xi32>, vector<16xi32>], vector<16xf32>,
        tpu.vector_store_idx %arg10[%add3A_221, %add3A_20], %gather3A_227 : memref<64x128xf32, #tpu.memory_space<vmem>>[vector<16xi32>, vector<16xi32>], vector<16xf32>,
        tpu.vector_store_idx %arg10[%add3A_221, %add3A_23], %gather3A_228 : memref<64x128xf32, #tpu.memory_space<vmem>>[vector<16xi32>, vector<16xi32>], vector<16xf32>,
        tpu.vector_store_idx %arg10[%add3A_221, %add3A_26], %gather3A_229 : memref<64x128xf32, #tpu.memory_space<vmem>>[vector<16xi32>, vector<16xi32>], vector<16xf32>,
        %add3A_230 = arith.constant 32 : i32
        %add3A_231 = vector.broadcast %add3A_230 : i32 to vector<16xi32>
        %add3A_232 = arith.addi %and3A_208, %add3A_231 : vector<16xi32>
        %gather3A_233 = tpu.vector_load_idx %arg8[%add3A_5, %add3A_232] : memref<128x128xf32, #tpu.memory_space<vmem>>[vector<16xi32>, vector<16xi32>], vector<16xf32>,
        %gather3A_234 = tpu.vector_load_idx %arg8[%add3A_8, %add3A_232] : memref<128x128xf32, #tpu.memory_space<vmem>>[vector<16xi32>, vector<16xi32>], vector<16xf32>,
        %gather3A_235 = tpu.vector_load_idx %arg8[%add3A_11, %add3A_232] : memref<128x128xf32, #tpu.memory_space<vmem>>[vector<16xi32>, vector<16xi32>], vector<16xf32>,
        %gather3A_236 = tpu.vector_load_idx %arg8[%add3A_14, %add3A_232] : memref<128x128xf32, #tpu.memory_space<vmem>>[vector<16xi32>, vector<16xi32>], vector<16xf32>,
        %gather3A_237 = tpu.vector_load_idx %arg8[%add3A_17, %add3A_232] : memref<128x128xf32, #tpu.memory_space<vmem>>[vector<16xi32>, vector<16xi32>], vector<16xf32>,
        %gather3A_238 = tpu.vector_load_idx %arg8[%add3A_20, %add3A_232] : memref<128x128xf32, #tpu.memory_space<vmem>>[vector<16xi32>, vector<16xi32>], vector<16xf32>,
        %gather3A_239 = tpu.vector_load_idx %arg8[%add3A_23, %add3A_232] : memref<128x128xf32, #tpu.memory_space<vmem>>[vector<16xi32>, vector<16xi32>], vector<16xf32>,
        %gather3A_240 = tpu.vector_load_idx %arg8[%add3A_26, %add3A_232] : memref<128x128xf32, #tpu.memory_space<vmem>>[vector<16xi32>, vector<16xi32>], vector<16xf32>,
        tpu.vector_store_idx %arg10[%add3A_232, %add3A_5], %gather3A_233 : memref<64x128xf32, #tpu.memory_space<vmem>>[vector<16xi32>, vector<16xi32>], vector<16xf32>,
        tpu.vector_store_idx %arg10[%add3A_232, %add3A_8], %gather3A_234 : memref<64x128xf32, #tpu.memory_space<vmem>>[vector<16xi32>, vector<16xi32>], vector<16xf32>,
        tpu.vector_store_idx %arg10[%add3A_232, %add3A_11], %gather3A_235 : memref<64x128xf32, #tpu.memory_space<vmem>>[vector<16xi32>, vector<16xi32>], vector<16xf32>,
        tpu.vector_store_idx %arg10[%add3A_232, %add3A_14], %gather3A_236 : memref<64x128xf32, #tpu.memory_space<vmem>>[vector<16xi32>, vector<16xi32>], vector<16xf32>,
        tpu.vector_store_idx %arg10[%add3A_232, %add3A_17], %gather3A_237 : memref<64x128xf32, #tpu.memory_space<vmem>>[vector<16xi32>, vector<16xi32>], vector<16xf32>,
        tpu.vector_store_idx %arg10[%add3A_232, %add3A_20], %gather3A_238 : memref<64x128xf32, #tpu.memory_space<vmem>>[vector<16xi32>, vector<16xi32>], vector<16xf32>,
        tpu.vector_store_idx %arg10[%add3A_232, %add3A_23], %gather3A_239 : memref<64x128xf32, #tpu.memory_space<vmem>>[vector<16xi32>, vector<16xi32>], vector<16xf32>,
        tpu.vector_store_idx %arg10[%add3A_232, %add3A_26], %gather3A_240 : memref<64x128xf32, #tpu.memory_space<vmem>>[vector<16xi32>, vector<16xi32>], vector<16xf32>,
        %add3A_241 = arith.constant 48 : i32
        %add3A_242 = vector.broadcast %add3A_241 : i32 to vector<16xi32>
        %add3A_243 = arith.addi %and3A_208, %add3A_242 : vector<16xi32>
        %gather3A_244 = tpu.vector_load_idx %arg8[%add3A_5, %add3A_243] : memref<128x128xf32, #tpu.memory_space<vmem>>[vector<16xi32>, vector<16xi32>], vector<16xf32>,
        %gather3A_245 = tpu.vector_load_idx %arg8[%add3A_8, %add3A_243] : memref<128x128xf32, #tpu.memory_space<vmem>>[vector<16xi32>, vector<16xi32>], vector<16xf32>,
        %gather3A_246 = tpu.vector_load_idx %arg8[%add3A_11, %add3A_243] : memref<128x128xf32, #tpu.memory_space<vmem>>[vector<16xi32>, vector<16xi32>], vector<16xf32>,
        %gather3A_247 = tpu.vector_load_idx %arg8[%add3A_14, %add3A_243] : memref<128x128xf32, #tpu.memory_space<vmem>>[vector<16xi32>, vector<16xi32>], vector<16xf32>,
        %gather3A_248 = tpu.vector_load_idx %arg8[%add3A_17, %add3A_243] : memref<128x128xf32, #tpu.memory_space<vmem>>[vector<16xi32>, vector<16xi32>], vector<16xf32>,
        %gather3A_249 = tpu.vector_load_idx %arg8[%add3A_20, %add3A_243] : memref<128x128xf32, #tpu.memory_space<vmem>>[vector<16xi32>, vector<16xi32>], vector<16xf32>,
        %gather3A_250 = tpu.vector_load_idx %arg8[%add3A_23, %add3A_243] : memref<128x128xf32, #tpu.memory_space<vmem>>[vector<16xi32>, vector<16xi32>], vector<16xf32>,
        %gather3A_251 = tpu.vector_load_idx %arg8[%add3A_26, %add3A_243] : memref<128x128xf32, #tpu.memory_space<vmem>>[vector<16xi32>, vector<16xi32>], vector<16xf32>,
        tpu.vector_store_idx %arg10[%add3A_243, %add3A_5], %gather3A_244 : memref<64x128xf32, #tpu.memory_space<vmem>>[vector<16xi32>, vector<16xi32>], vector<16xf32>,
        tpu.vector_store_idx %arg10[%add3A_243, %add3A_8], %gather3A_245 : memref<64x128xf32, #tpu.memory_space<vmem>>[vector<16xi32>, vector<16xi32>], vector<16xf32>,
        tpu.vector_store_idx %arg10[%add3A_243, %add3A_11], %gather3A_246 : memref<64x128xf32, #tpu.memory_space<vmem>>[vector<16xi32>, vector<16xi32>], vector<16xf32>,
        tpu.vector_store_idx %arg10[%add3A_243, %add3A_14], %gather3A_247 : memref<64x128xf32, #tpu.memory_space<vmem>>[vector<16xi32>, vector<16xi32>], vector<16xf32>,
        tpu.vector_store_idx %arg10[%add3A_243, %add3A_17], %gather3A_248 : memref<64x128xf32, #tpu.memory_space<vmem>>[vector<16xi32>, vector<16xi32>], vector<16xf32>,
        tpu.vector_store_idx %arg10[%add3A_243, %add3A_20], %gather3A_249 : memref<64x128xf32, #tpu.memory_space<vmem>>[vector<16xi32>, vector<16xi32>], vector<16xf32>,
        tpu.vector_store_idx %arg10[%add3A_243, %add3A_23], %gather3A_250 : memref<64x128xf32, #tpu.memory_space<vmem>>[vector<16xi32>, vector<16xi32>], vector<16xf32>,
        tpu.vector_store_idx %arg10[%add3A_243, %add3A_26], %gather3A_251 : memref<64x128xf32, #tpu.memory_space<vmem>>[vector<16xi32>, vector<16xi32>], vector<16xf32>,
        %scan3A_252 = arith.constant 0 : i32
        scf.yield %scan3A_252 : i32
      }
      %scan3A_162 = arith.constant 16 : i32
      %dma_start3A_163 = arith.constant 0 : i32
      %dma_start3A_164 = tpu.memref_slice %arg4[%add3A_137, %dma_start3A_163, %mul3A_2] : memref<200x64x4096xf32, #tpu.memory_space<hbm>> -> memref<1x64x128xf32, #tpu.memory_space<hbm>>
      %dma_start3A_165 = tpu.memref_squeeze %dma_start3A_164 : memref<1x64x128xf32, #tpu.memory_space<hbm>> -> memref<64x128xf32, #tpu.memory_space<hbm>>
      %dma_start3A_166 = arith.constant 0 : i32
      %dma_start3A_167 = tpu.memref_slice %arg4[%add3A_137, %dma_start3A_166, %mul3A_2] : memref<200x64x4096xf32, #tpu.memory_space<hbm>> -> memref<1x64x128xf32, #tpu.memory_space<hbm>>
      %dma_start3A_168 = tpu.memref_squeeze %dma_start3A_167 : memref<1x64x128xf32, #tpu.memory_space<hbm>> -> memref<64x128xf32, #tpu.memory_space<hbm>>
      tpu.enqueue_dma source(%arg10 : memref<64x128xf32, #tpu.memory_space<vmem>>) target(%dma_start3A_168 : memref<64x128xf32, #tpu.memory_space<hbm>>) target_semaphore(%arg16 : memref<!tpu.dma_semaphore, #tpu.memory_space<semaphore_mem>>)
      %add3A_169 = arith.constant 3 : i32
      %add3A_170 = arith.addi %mul3A_73, %add3A_169 : i32
      %dma_wait3A_171 = arith.constant 0 : i32
      %dma_wait3A_172 = arith.constant 0 : i32
      %dma_wait3A_173 = tpu.memref_slice %arg2[%dma_wait3A_171, %dma_wait3A_172] : memref<100000x128xf32, #tpu.memory_space<hbm>> -> memref<128x128xf32, #tpu.memory_space<hbm>>
      %dma_wait3A_174 = arith.constant 0 : i32
      %dma_wait3A_175 = arith.constant 0 : i32
      %dma_wait3A_176 = tpu.memref_slice %arg2[%dma_wait3A_174, %dma_wait3A_175] : memref<100000x128xf32, #tpu.memory_space<hbm>> -> memref<128x128xf32, #tpu.memory_space<hbm>>
      tpu.wait_dma2 semaphore(%arg15 : memref<!tpu.dma_semaphore, #tpu.memory_space<semaphore_mem>>) src(%dma_wait3A_176 : memref<128x128xf32, #tpu.memory_space<hbm>>) dst(%arg9 : memref<128x128xf32, #tpu.memory_space<vmem>>)
      %add3A_177 = arith.constant 3 : i32
      %add3A_178 = arith.addi %add3A_170, %add3A_177 : i32
      %lt3A_179 = arith.constant 200 : i32
      %lt3A_180 = arith.cmpi slt, %add3A_178, %lt3A_179 : i32
      %convert_element_type3A_181 = arith.extui %lt3A_180 : i1 to i32
      %cond3A_182 = arith.constant 0 : i32
      %cond3A_183 = arith.cmpi ne, %convert_element_type3A_181, %cond3A_182 : i32
      scf.if %cond3A_183 {
        %add3A_203 = arith.constant 3 : i32
        %add3A_204 = arith.addi %add3A_170, %add3A_203 : i32
        %dma_start3A_205 = arith.constant 0 : i32
        %dma_start3A_206 = tpu.memref_slice %arg5[%add3A_204, %dma_start3A_205] : memref<200x128xi32, #tpu.memory_space<vmem>> -> memref<1x128xi32, #tpu.memory_space<vmem>>
        %dma_start3A_207 = tpu.memref_squeeze %dma_start3A_206 : memref<1x128xi32, #tpu.memory_space<vmem>> -> memref<128xi32, #tpu.memory_space<vmem>>
        %dma_start3A_208 = arith.constant 0 : i32
        %dma_start3A_209 = arith.constant 0 : i32
        %dma_start3A_210 = tpu.memref_slice %arg2[%dma_start3A_208, %dma_start3A_209] : memref<100000x128xf32, #tpu.memory_space<hbm>> -> memref<100000x128xf32, #tpu.memory_space<hbm>>
        tpu.enqueue_indirect_dma source(%dma_start3A_210 : memref<100000x128xf32, #tpu.memory_space<hbm>>) target(%arg8 : memref<128x128xf32, #tpu.memory_space<vmem>>) offsets(%dma_start3A_207 : memref<128xi32, #tpu.memory_space<vmem>>) semaphore(%arg14 : memref<!tpu.dma_semaphore, #tpu.memory_space<semaphore_mem>>)
      } else {
      }
      %ge3A_184 = arith.constant 2 : i32
      %ge3A_185 = arith.cmpi sge, %add3A_170, %ge3A_184 : i32
      %convert_element_type3A_186 = arith.extui %ge3A_185 : i1 to i32
      %cond3A_187 = arith.constant 0 : i32
      %cond3A_188 = arith.cmpi ne, %convert_element_type3A_186, %cond3A_187 : i32
      scf.if %cond3A_188 {
        %dma_wait3A_203 = arith.constant 0 : i32
        %dma_wait3A_204 = arith.constant 0 : i32
        %dma_wait3A_205 = arith.constant 0 : i32
        %dma_wait3A_206 = tpu.memref_slice %arg4[%dma_wait3A_203, %dma_wait3A_204, %dma_wait3A_205] : memref<200x64x4096xf32, #tpu.memory_space<hbm>> -> memref<1x64x128xf32, #tpu.memory_space<hbm>>
        %dma_wait3A_207 = tpu.memref_squeeze %dma_wait3A_206 : memref<1x64x128xf32, #tpu.memory_space<hbm>> -> memref<64x128xf32, #tpu.memory_space<hbm>>
        %dma_wait3A_208 = arith.constant 0 : i32
        %dma_wait3A_209 = arith.constant 0 : i32
        %dma_wait3A_210 = tpu.memref_slice %arg4[%dma_wait3A_203, %dma_wait3A_208, %dma_wait3A_209] : memref<200x64x4096xf32, #tpu.memory_space<hbm>> -> memref<1x64x128xf32, #tpu.memory_space<hbm>>
        %dma_wait3A_211 = tpu.memref_squeeze %dma_wait3A_210 : memref<1x64x128xf32, #tpu.memory_space<hbm>> -> memref<64x128xf32, #tpu.memory_space<hbm>>
        tpu.wait_dma2 semaphore(%arg17 : memref<!tpu.dma_semaphore, #tpu.memory_space<semaphore_mem>>) src(%arg11 : memref<64x128xf32, #tpu.memory_space<vmem>>) dst(%dma_wait3A_211 : memref<64x128xf32, #tpu.memory_space<hbm>>)
      } else {
      }
      %scan3A_189 = arith.constant 0 : i32
      %scan3A_190 = arith.constant 0 : i32
      %scan3A_191 = arith.constant 16 : i32
      %scan3A_192 = arith.addi %scan3A_190, %scan3A_191 : i32
      %scan3A_193 = arith.constant 1 : i32
      %scan3A_194 = scf.for %scan3A_203 = %scan3A_190 to %scan3A_192 step %scan3A_193 iter_args(%scan3A_204 = %scan3A_189) -> (i32)  : i32 {
        %add3A_205 = vector.broadcast %scan3A_203 : i32 to vector<16xi32>
        %add3A_206 = arith.addi %add3A_205, %iota3A : vector<16xi32>
        %and3A = arith.constant 15 : i32
        %and3A_207 = vector.broadcast %and3A : i32 to vector<16xi32>
        %and3A_208 = arith.andi %add3A_206, %and3A_207 : vector<16xi32>
        %add3A_209 = arith.constant 0 : i32
        %add3A_210 = vector.broadcast %add3A_209 : i32 to vector<16xi32>
        %add3A_211 = arith.addi %and3A_208, %add3A_210 : vector<16xi32>
        %gather3A = tpu.vector_load_idx %arg9[%add3A_5, %add3A_211] : memref<128x128xf32, #tpu.memory_space<vmem>>[vector<16xi32>, vector<16xi32>], vector<16xf32>,
        %gather3A_212 = tpu.vector_load_idx %arg9[%add3A_8, %add3A_211] : memref<128x128xf32, #tpu.memory_space<vmem>>[vector<16xi32>, vector<16xi32>], vector<16xf32>,
        %gather3A_213 = tpu.vector_load_idx %arg9[%add3A_11, %add3A_211] : memref<128x128xf32, #tpu.memory_space<vmem>>[vector<16xi32>, vector<16xi32>], vector<16xf32>,
        %gather3A_214 = tpu.vector_load_idx %arg9[%add3A_14, %add3A_211] : memref<128x128xf32, #tpu.memory_space<vmem>>[vector<16xi32>, vector<16xi32>], vector<16xf32>,
        %gather3A_215 = tpu.vector_load_idx %arg9[%add3A_17, %add3A_211] : memref<128x128xf32, #tpu.memory_space<vmem>>[vector<16xi32>, vector<16xi32>], vector<16xf32>,
        %gather3A_216 = tpu.vector_load_idx %arg9[%add3A_20, %add3A_211] : memref<128x128xf32, #tpu.memory_space<vmem>>[vector<16xi32>, vector<16xi32>], vector<16xf32>,
        %gather3A_217 = tpu.vector_load_idx %arg9[%add3A_23, %add3A_211] : memref<128x128xf32, #tpu.memory_space<vmem>>[vector<16xi32>, vector<16xi32>], vector<16xf32>,
        %gather3A_218 = tpu.vector_load_idx %arg9[%add3A_26, %add3A_211] : memref<128x128xf32, #tpu.memory_space<vmem>>[vector<16xi32>, vector<16xi32>], vector<16xf32>,
        tpu.vector_store_idx %arg11[%add3A_211, %add3A_5], %gather3A : memref<64x128xf32, #tpu.memory_space<vmem>>[vector<16xi32>, vector<16xi32>], vector<16xf32>,
        tpu.vector_store_idx %arg11[%add3A_211, %add3A_8], %gather3A_212 : memref<64x128xf32, #tpu.memory_space<vmem>>[vector<16xi32>, vector<16xi32>], vector<16xf32>,
        tpu.vector_store_idx %arg11[%add3A_211, %add3A_11], %gather3A_213 : memref<64x128xf32, #tpu.memory_space<vmem>>[vector<16xi32>, vector<16xi32>], vector<16xf32>,
        tpu.vector_store_idx %arg11[%add3A_211, %add3A_14], %gather3A_214 : memref<64x128xf32, #tpu.memory_space<vmem>>[vector<16xi32>, vector<16xi32>], vector<16xf32>,
        tpu.vector_store_idx %arg11[%add3A_211, %add3A_17], %gather3A_215 : memref<64x128xf32, #tpu.memory_space<vmem>>[vector<16xi32>, vector<16xi32>], vector<16xf32>,
        tpu.vector_store_idx %arg11[%add3A_211, %add3A_20], %gather3A_216 : memref<64x128xf32, #tpu.memory_space<vmem>>[vector<16xi32>, vector<16xi32>], vector<16xf32>,
        tpu.vector_store_idx %arg11[%add3A_211, %add3A_23], %gather3A_217 : memref<64x128xf32, #tpu.memory_space<vmem>>[vector<16xi32>, vector<16xi32>], vector<16xf32>,
        tpu.vector_store_idx %arg11[%add3A_211, %add3A_26], %gather3A_218 : memref<64x128xf32, #tpu.memory_space<vmem>>[vector<16xi32>, vector<16xi32>], vector<16xf32>,
        %add3A_219 = arith.constant 16 : i32
        %add3A_220 = vector.broadcast %add3A_219 : i32 to vector<16xi32>
        %add3A_221 = arith.addi %and3A_208, %add3A_220 : vector<16xi32>
        %gather3A_222 = tpu.vector_load_idx %arg9[%add3A_5, %add3A_221] : memref<128x128xf32, #tpu.memory_space<vmem>>[vector<16xi32>, vector<16xi32>], vector<16xf32>,
        %gather3A_223 = tpu.vector_load_idx %arg9[%add3A_8, %add3A_221] : memref<128x128xf32, #tpu.memory_space<vmem>>[vector<16xi32>, vector<16xi32>], vector<16xf32>,
        %gather3A_224 = tpu.vector_load_idx %arg9[%add3A_11, %add3A_221] : memref<128x128xf32, #tpu.memory_space<vmem>>[vector<16xi32>, vector<16xi32>], vector<16xf32>,
        %gather3A_225 = tpu.vector_load_idx %arg9[%add3A_14, %add3A_221] : memref<128x128xf32, #tpu.memory_space<vmem>>[vector<16xi32>, vector<16xi32>], vector<16xf32>,
        %gather3A_226 = tpu.vector_load_idx %arg9[%add3A_17, %add3A_221] : memref<128x128xf32, #tpu.memory_space<vmem>>[vector<16xi32>, vector<16xi32>], vector<16xf32>,
        %gather3A_227 = tpu.vector_load_idx %arg9[%add3A_20, %add3A_221] : memref<128x128xf32, #tpu.memory_space<vmem>>[vector<16xi32>, vector<16xi32>], vector<16xf32>,
        %gather3A_228 = tpu.vector_load_idx %arg9[%add3A_23, %add3A_221] : memref<128x128xf32, #tpu.memory_space<vmem>>[vector<16xi32>, vector<16xi32>], vector<16xf32>,
        %gather3A_229 = tpu.vector_load_idx %arg9[%add3A_26, %add3A_221] : memref<128x128xf32, #tpu.memory_space<vmem>>[vector<16xi32>, vector<16xi32>], vector<16xf32>,
        tpu.vector_store_idx %arg11[%add3A_221, %add3A_5], %gather3A_222 : memref<64x128xf32, #tpu.memory_space<vmem>>[vector<16xi32>, vector<16xi32>], vector<16xf32>,
        tpu.vector_store_idx %arg11[%add3A_221, %add3A_8], %gather3A_223 : memref<64x128xf32, #tpu.memory_space<vmem>>[vector<16xi32>, vector<16xi32>], vector<16xf32>,
        tpu.vector_store_idx %arg11[%add3A_221, %add3A_11], %gather3A_224 : memref<64x128xf32, #tpu.memory_space<vmem>>[vector<16xi32>, vector<16xi32>], vector<16xf32>,
        tpu.vector_store_idx %arg11[%add3A_221, %add3A_14], %gather3A_225 : memref<64x128xf32, #tpu.memory_space<vmem>>[vector<16xi32>, vector<16xi32>], vector<16xf32>,
        tpu.vector_store_idx %arg11[%add3A_221, %add3A_17], %gather3A_226 : memref<64x128xf32, #tpu.memory_space<vmem>>[vector<16xi32>, vector<16xi32>], vector<16xf32>,
        tpu.vector_store_idx %arg11[%add3A_221, %add3A_20], %gather3A_227 : memref<64x128xf32, #tpu.memory_space<vmem>>[vector<16xi32>, vector<16xi32>], vector<16xf32>,
        tpu.vector_store_idx %arg11[%add3A_221, %add3A_23], %gather3A_228 : memref<64x128xf32, #tpu.memory_space<vmem>>[vector<16xi32>, vector<16xi32>], vector<16xf32>,
        tpu.vector_store_idx %arg11[%add3A_221, %add3A_26], %gather3A_229 : memref<64x128xf32, #tpu.memory_space<vmem>>[vector<16xi32>, vector<16xi32>], vector<16xf32>,
        %add3A_230 = arith.constant 32 : i32
        %add3A_231 = vector.broadcast %add3A_230 : i32 to vector<16xi32>
        %add3A_232 = arith.addi %and3A_208, %add3A_231 : vector<16xi32>
        %gather3A_233 = tpu.vector_load_idx %arg9[%add3A_5, %add3A_232] : memref<128x128xf32, #tpu.memory_space<vmem>>[vector<16xi32>, vector<16xi32>], vector<16xf32>,
        %gather3A_234 = tpu.vector_load_idx %arg9[%add3A_8, %add3A_232] : memref<128x128xf32, #tpu.memory_space<vmem>>[vector<16xi32>, vector<16xi32>], vector<16xf32>,
        %gather3A_235 = tpu.vector_load_idx %arg9[%add3A_11, %add3A_232] : memref<128x128xf32, #tpu.memory_space<vmem>>[vector<16xi32>, vector<16xi32>], vector<16xf32>,
        %gather3A_236 = tpu.vector_load_idx %arg9[%add3A_14, %add3A_232] : memref<128x128xf32, #tpu.memory_space<vmem>>[vector<16xi32>, vector<16xi32>], vector<16xf32>,
        %gather3A_237 = tpu.vector_load_idx %arg9[%add3A_17, %add3A_232] : memref<128x128xf32, #tpu.memory_space<vmem>>[vector<16xi32>, vector<16xi32>], vector<16xf32>,
        %gather3A_238 = tpu.vector_load_idx %arg9[%add3A_20, %add3A_232] : memref<128x128xf32, #tpu.memory_space<vmem>>[vector<16xi32>, vector<16xi32>], vector<16xf32>,
        %gather3A_239 = tpu.vector_load_idx %arg9[%add3A_23, %add3A_232] : memref<128x128xf32, #tpu.memory_space<vmem>>[vector<16xi32>, vector<16xi32>], vector<16xf32>,
        %gather3A_240 = tpu.vector_load_idx %arg9[%add3A_26, %add3A_232] : memref<128x128xf32, #tpu.memory_space<vmem>>[vector<16xi32>, vector<16xi32>], vector<16xf32>,
        tpu.vector_store_idx %arg11[%add3A_232, %add3A_5], %gather3A_233 : memref<64x128xf32, #tpu.memory_space<vmem>>[vector<16xi32>, vector<16xi32>], vector<16xf32>,
        tpu.vector_store_idx %arg11[%add3A_232, %add3A_8], %gather3A_234 : memref<64x128xf32, #tpu.memory_space<vmem>>[vector<16xi32>, vector<16xi32>], vector<16xf32>,
        tpu.vector_store_idx %arg11[%add3A_232, %add3A_11], %gather3A_235 : memref<64x128xf32, #tpu.memory_space<vmem>>[vector<16xi32>, vector<16xi32>], vector<16xf32>,
        tpu.vector_store_idx %arg11[%add3A_232, %add3A_14], %gather3A_236 : memref<64x128xf32, #tpu.memory_space<vmem>>[vector<16xi32>, vector<16xi32>], vector<16xf32>,
        tpu.vector_store_idx %arg11[%add3A_232, %add3A_17], %gather3A_237 : memref<64x128xf32, #tpu.memory_space<vmem>>[vector<16xi32>, vector<16xi32>], vector<16xf32>,
        tpu.vector_store_idx %arg11[%add3A_232, %add3A_20], %gather3A_238 : memref<64x128xf32, #tpu.memory_space<vmem>>[vector<16xi32>, vector<16xi32>], vector<16xf32>,
        tpu.vector_store_idx %arg11[%add3A_232, %add3A_23], %gather3A_239 : memref<64x128xf32, #tpu.memory_space<vmem>>[vector<16xi32>, vector<16xi32>], vector<16xf32>,
        tpu.vector_store_idx %arg11[%add3A_232, %add3A_26], %gather3A_240 : memref<64x128xf32, #tpu.memory_space<vmem>>[vector<16xi32>, vector<16xi32>], vector<16xf32>,
        %add3A_241 = arith.constant 48 : i32
        %add3A_242 = vector.broadcast %add3A_241 : i32 to vector<16xi32>
        %add3A_243 = arith.addi %and3A_208, %add3A_242 : vector<16xi32>
        %gather3A_244 = tpu.vector_load_idx %arg9[%add3A_5, %add3A_243] : memref<128x128xf32, #tpu.memory_space<vmem>>[vector<16xi32>, vector<16xi32>], vector<16xf32>,
        %gather3A_245 = tpu.vector_load_idx %arg9[%add3A_8, %add3A_243] : memref<128x128xf32, #tpu.memory_space<vmem>>[vector<16xi32>, vector<16xi32>], vector<16xf32>,
        %gather3A_246 = tpu.vector_load_idx %arg9[%add3A_11, %add3A_243] : memref<128x128xf32, #tpu.memory_space<vmem>>[vector<16xi32>, vector<16xi32>], vector<16xf32>,
        %gather3A_247 = tpu.vector_load_idx %arg9[%add3A_14, %add3A_243] : memref<128x128xf32, #tpu.memory_space<vmem>>[vector<16xi32>, vector<16xi32>], vector<16xf32>,
        %gather3A_248 = tpu.vector_load_idx %arg9[%add3A_17, %add3A_243] : memref<128x128xf32, #tpu.memory_space<vmem>>[vector<16xi32>, vector<16xi32>], vector<16xf32>,
        %gather3A_249 = tpu.vector_load_idx %arg9[%add3A_20, %add3A_243] : memref<128x128xf32, #tpu.memory_space<vmem>>[vector<16xi32>, vector<16xi32>], vector<16xf32>,
        %gather3A_250 = tpu.vector_load_idx %arg9[%add3A_23, %add3A_243] : memref<128x128xf32, #tpu.memory_space<vmem>>[vector<16xi32>, vector<16xi32>], vector<16xf32>,
        %gather3A_251 = tpu.vector_load_idx %arg9[%add3A_26, %add3A_243] : memref<128x128xf32, #tpu.memory_space<vmem>>[vector<16xi32>, vector<16xi32>], vector<16xf32>,
        tpu.vector_store_idx %arg11[%add3A_243, %add3A_5], %gather3A_244 : memref<64x128xf32, #tpu.memory_space<vmem>>[vector<16xi32>, vector<16xi32>], vector<16xf32>,
        tpu.vector_store_idx %arg11[%add3A_243, %add3A_8], %gather3A_245 : memref<64x128xf32, #tpu.memory_space<vmem>>[vector<16xi32>, vector<16xi32>], vector<16xf32>,
        tpu.vector_store_idx %arg11[%add3A_243, %add3A_11], %gather3A_246 : memref<64x128xf32, #tpu.memory_space<vmem>>[vector<16xi32>, vector<16xi32>], vector<16xf32>,
        tpu.vector_store_idx %arg11[%add3A_243, %add3A_14], %gather3A_247 : memref<64x128xf32, #tpu.memory_space<vmem>>[vector<16xi32>, vector<16xi32>], vector<16xf32>,
        tpu.vector_store_idx %arg11[%add3A_243, %add3A_17], %gather3A_248 : memref<64x128xf32, #tpu.memory_space<vmem>>[vector<16xi32>, vector<16xi32>], vector<16xf32>,
        tpu.vector_store_idx %arg11[%add3A_243, %add3A_20], %gather3A_249 : memref<64x128xf32, #tpu.memory_space<vmem>>[vector<16xi32>, vector<16xi32>], vector<16xf32>,
        tpu.vector_store_idx %arg11[%add3A_243, %add3A_23], %gather3A_250 : memref<64x128xf32, #tpu.memory_space<vmem>>[vector<16xi32>, vector<16xi32>], vector<16xf32>,
        tpu.vector_store_idx %arg11[%add3A_243, %add3A_26], %gather3A_251 : memref<64x128xf32, #tpu.memory_space<vmem>>[vector<16xi32>, vector<16xi32>], vector<16xf32>,
        %scan3A_252 = arith.constant 0 : i32
        scf.yield %scan3A_252 : i32
      }
      %scan3A_195 = arith.constant 16 : i32
      %dma_start3A_196 = arith.constant 0 : i32
      %dma_start3A_197 = tpu.memref_slice %arg4[%add3A_170, %dma_start3A_196, %mul3A_2] : memref<200x64x4096xf32, #tpu.memory_space<hbm>> -> memref<1x64x128xf32, #tpu.memory_space<hbm>>
      %dma_start3A_198 = tpu.memref_squeeze %dma_start3A_197 : memref<1x64x128xf32, #tpu.memory_space<hbm>> -> memref<64x128xf32, #tpu.memory_space<hbm>>
      %dma_start3A_199 = arith.constant 0 : i32
      %dma_start3A_200 = tpu.memref_slice %arg4[%add3A_170, %dma_start3A_199, %mul3A_2] : memref<200x64x4096xf32, #tpu.memory_space<hbm>> -> memref<1x64x128xf32, #tpu.memory_space<hbm>>
      %dma_start3A_201 = tpu.memref_squeeze %dma_start3A_200 : memref<1x64x128xf32, #tpu.memory_space<hbm>> -> memref<64x128xf32, #tpu.memory_space<hbm>>
      tpu.enqueue_dma source(%arg11 : memref<64x128xf32, #tpu.memory_space<vmem>>) target(%dma_start3A_201 : memref<64x128xf32, #tpu.memory_space<hbm>>) target_semaphore(%arg17 : memref<!tpu.dma_semaphore, #tpu.memory_space<semaphore_mem>>)
      %scan3A_202 = arith.constant 0 : i32
      scf.yield %scan3A_202 : i32
    }
    %scan3A_52 = arith.constant 50 : i32
    %dma_wait3A = arith.constant 0 : i32
    %dma_wait3A_53 = arith.constant 0 : i32
    %dma_wait3A_54 = arith.constant 0 : i32
    %dma_wait3A_55 = tpu.memref_slice %arg4[%dma_wait3A, %dma_wait3A_53, %dma_wait3A_54] : memref<200x64x4096xf32, #tpu.memory_space<hbm>> -> memref<1x64x128xf32, #tpu.memory_space<hbm>>
    %dma_wait3A_56 = tpu.memref_squeeze %dma_wait3A_55 : memref<1x64x128xf32, #tpu.memory_space<hbm>> -> memref<64x128xf32, #tpu.memory_space<hbm>>
    %dma_wait3A_57 = arith.constant 0 : i32
    %dma_wait3A_58 = arith.constant 0 : i32
    %dma_wait3A_59 = tpu.memref_slice %arg4[%dma_wait3A, %dma_wait3A_57, %dma_wait3A_58] : memref<200x64x4096xf32, #tpu.memory_space<hbm>> -> memref<1x64x128xf32, #tpu.memory_space<hbm>>
    %dma_wait3A_60 = tpu.memref_squeeze %dma_wait3A_59 : memref<1x64x128xf32, #tpu.memory_space<hbm>> -> memref<64x128xf32, #tpu.memory_space<hbm>>
    tpu.wait_dma2 semaphore(%arg16 : memref<!tpu.dma_semaphore, #tpu.memory_space<semaphore_mem>>) src(%arg10 : memref<64x128xf32, #tpu.memory_space<vmem>>) dst(%dma_wait3A_60 : memref<64x128xf32, #tpu.memory_space<hbm>>)
    %dma_wait3A_61 = arith.constant 0 : i32
    %dma_wait3A_62 = arith.constant 0 : i32
    %dma_wait3A_63 = arith.constant 0 : i32
    %dma_wait3A_64 = tpu.memref_slice %arg4[%dma_wait3A_61, %dma_wait3A_62, %dma_wait3A_63] : memref<200x64x4096xf32, #tpu.memory_space<hbm>> -> memref<1x64x128xf32, #tpu.memory_space<hbm>>
    %dma_wait3A_65 = tpu.memref_squeeze %dma_wait3A_64 : memref<1x64x128xf32, #tpu.memory_space<hbm>> -> memref<64x128xf32, #tpu.memory_space<hbm>>
    %dma_wait3A_66 = arith.constant 0 : i32
    %dma_wait3A_67 = arith.constant 0 : i32
    %dma_wait3A_68 = tpu.memref_slice %arg4[%dma_wait3A_61, %dma_wait3A_66, %dma_wait3A_67] : memref<200x64x4096xf32, #tpu.memory_space<hbm>> -> memref<1x64x128xf32, #tpu.memory_space<hbm>>
    %dma_wait3A_69 = tpu.memref_squeeze %dma_wait3A_68 : memref<1x64x128xf32, #tpu.memory_space<hbm>> -> memref<64x128xf32, #tpu.memory_space<hbm>>
    tpu.wait_dma2 semaphore(%arg17 : memref<!tpu.dma_semaphore, #tpu.memory_space<semaphore_mem>>) src(%arg11 : memref<64x128xf32, #tpu.memory_space<vmem>>) dst(%dma_wait3A_69 : memref<64x128xf32, #tpu.memory_space<hbm>>)
    return
  }
}

module attributes {stable_mosaic.version = 14 : i64} {
  func.func @_ln_table_body(%arg0: i32, %arg1: memref<64x8192xf32, #tpu.memory_space<vmem>>, %arg2: memref<64x1xf32, #tpu.memory_space<vmem>>, %arg3: memref<64x1xf32, #tpu.memory_space<vmem>>, %arg4: memref<8192x128xf32, #tpu.memory_space<vmem>>) attributes {dimension_semantics = [#tpu.dimension_semantics<arbitrary>], iteration_bounds = array<i64: 13>, scalar_prefetch = 0 : i64, scratch_operands = 0 : i64, tpu.core_type = #tpu.core_type<tc>, window_params = [{transform_indices = @transform_0, window_bounds = array<i64: 64, 8192>}, {pipeline_mode = #tpu.pipeline_mode<synchronous>, transform_indices = @transform_1, window_bounds = array<i64: 64, 1>}, {pipeline_mode = #tpu.pipeline_mode<synchronous>, transform_indices = @transform_2, window_bounds = array<i64: 64, 1>}, {transform_indices = @transform_3, window_bounds = array<i64: 8192, 128>}]} {
    %get3A = arith.constant 0 : index
    %get3A_0 = arith.constant 0 : index
    %get3A_1 = vector.load %arg1[%get3A, %get3A_0] : memref<64x8192xf32, #tpu.memory_space<vmem>>, vector<64x8192xf32>
    %reduce_sum3A = arith.constant dense<0.000000e+00> : vector<8192xf32>
    %reduce_sum3A_2 = vector.multi_reduction <add>, %get3A_1, %reduce_sum3A [0] : vector<64x8192xf32> to vector<8192xf32>
    %broadcast_in_dim3A = vector.shape_cast %reduce_sum3A_2 : vector<8192xf32> to vector<1x8192xf32>
    %div3A = arith.constant 6.400000e+01 : f32
    %div3A_3 = vector.broadcast %div3A : f32 to vector<1x8192xf32>
    %div3A_4 = arith.divf %broadcast_in_dim3A, %div3A_3 : vector<1x8192xf32>
    %sub3A = vector.broadcast %div3A_4 : vector<1x8192xf32> to vector<64x8192xf32>
    %sub3A_5 = arith.subf %get3A_1, %sub3A : vector<64x8192xf32>
    %mul3A = arith.mulf %sub3A_5, %sub3A_5 : vector<64x8192xf32>
    %reduce_sum3A_6 = arith.constant dense<0.000000e+00> : vector<8192xf32>
    %reduce_sum3A_7 = vector.multi_reduction <add>, %mul3A, %reduce_sum3A_6 [0] : vector<64x8192xf32> to vector<8192xf32>
    %broadcast_in_dim3A_8 = vector.shape_cast %reduce_sum3A_7 : vector<8192xf32> to vector<1x8192xf32>
    %div3A_9 = arith.constant 6.400000e+01 : f32
    %div3A_10 = vector.broadcast %div3A_9 : f32 to vector<1x8192xf32>
    %div3A_11 = arith.divf %broadcast_in_dim3A_8, %div3A_10 : vector<1x8192xf32>
    %add3A = arith.constant 9.99999974E-6 : f32
    %add3A_12 = vector.broadcast %add3A : f32 to vector<1x8192xf32>
    %add3A_13 = arith.addf %div3A_11, %add3A_12 : vector<1x8192xf32>
    %rsqrt3A = math.rsqrt %add3A_13 : vector<1x8192xf32>
    %mul3A_14 = vector.broadcast %rsqrt3A : vector<1x8192xf32> to vector<64x8192xf32>
    %mul3A_15 = arith.mulf %sub3A_5, %mul3A_14 : vector<64x8192xf32>
    %get3A_16 = arith.constant 0 : index
    %get3A_17 = arith.constant 0 : index
    %get3A_18 = vector.load %arg2[%get3A_16, %get3A_17] : memref<64x1xf32, #tpu.memory_space<vmem>>, vector<64x1xf32>
    %mul3A_19 = vector.broadcast %get3A_18 : vector<64x1xf32> to vector<64x8192xf32>
    %mul3A_20 = arith.mulf %mul3A_15, %mul3A_19 : vector<64x8192xf32>
    %get3A_21 = arith.constant 0 : index
    %get3A_22 = arith.constant 0 : index
    %get3A_23 = vector.load %arg3[%get3A_21, %get3A_22] : memref<64x1xf32, #tpu.memory_space<vmem>>, vector<64x1xf32>
    %add3A_24 = vector.broadcast %get3A_23 : vector<64x1xf32> to vector<64x8192xf32>
    %add3A_25 = arith.addf %mul3A_20, %add3A_24 : vector<64x8192xf32>
    %transpose3A = tpu.transpose %add3A_25, [1, 0] : vector<64x8192xf32> -> vector<8192x64xf32>
    %broadcast_in_dim3A_26 = arith.constant 0.000000e+00 : f32
    %broadcast_in_dim3A_27 = vector.broadcast %broadcast_in_dim3A_26 : f32 to vector<8192x64xf32>
    %concatenate3A = tpu.concatenate %transpose3A, %broadcast_in_dim3A_27 in 1 : vector<8192x64xf32>, vector<8192x64xf32> -> vector<8192x128xf32>
    %swap3A = arith.constant 0 : index
    %swap3A_28 = arith.constant 0 : index
    %swap3A_29 = vector.load %arg4[%swap3A, %swap3A_28] : memref<8192x128xf32, #tpu.memory_space<vmem>>, vector<8192x128xf32>
    tpu.vector_store %arg4[%swap3A, %swap3A_28], %concatenate3A {strides = array<i32>} : memref<8192x128xf32, #tpu.memory_space<vmem>>, vector<8192x128xf32>,
    return
  }
  func.func @transform_0(%arg0: i32) -> (i32, i32) {
    %c0_i32 = arith.constant 0 : i32
    %c0_i32_0 = arith.constant 0 : i32
    return %c0_i32, %arg0 : i32, i32
  }
  func.func @transform_1(%arg0: i32) -> (i32, i32) {
    %c0_i32 = arith.constant 0 : i32
    %c0_i32_0 = arith.constant 0 : i32
    %c0_i32_1 = arith.constant 0 : i32
    return %c0_i32, %c0_i32_0 : i32, i32
  }
  func.func @transform_2(%arg0: i32) -> (i32, i32) {
    %c0_i32 = arith.constant 0 : i32
    %c0_i32_0 = arith.constant 0 : i32
    %c0_i32_1 = arith.constant 0 : i32
    return %c0_i32, %c0_i32_0 : i32, i32
  }
  func.func @transform_3(%arg0: i32) -> (i32, i32) {
    %c0_i32 = arith.constant 0 : i32
    %c0_i32_0 = arith.constant 0 : i32
    return %arg0, %c0_i32 : i32, i32
  }
}

</mosaic_0001>

<sc_bundles>
// kernel: kernel.4.cloned.1.call-start
scs
__scs_entry_jumppad:
0x0: {  	(pc) =	sbr.rel $0x88, $3  }
0x1: {  	(tag) =	ssettag $0x0;
	lr =	simm.s32 $0x1  }
0x2: {  	[smem:$0x3F9D] =	sst lr;
	_ =	strace $0xD0000000  }
0x3: {  	_ = 	snop  }
0x4: {  	_ = 	snop  }
0x5: {  	_ = 	snop  }
0x6: {  	_ = 	snop  }
0x7: {  	_ = 	snop  }
__scs_overlays_trampoline_lowered:
0x8: {  	[smem:$0x3FAC] =	sst s0  }
0x9: {  	[smem:$0x3FAD] =	sst s1  }
0xa: {  	[smem:$0x3FAE] =	sst s2  }
0xb: {  	[smem:$0x3FAF] =	sst s3  }
0xc: {  	[smem:$0x3FB0] =	sst s4  }
0xd: {  	[smem:$0x3FB1] =	sst s5  }
0xe: {  	[smem:$0x3FB2] =	sst s6  }
0xf: {  	[smem:$0x3FB3] =	sst s7  }
0x10: {  	[smem:$0x3FB4] =	sst s8  }
0x11: {  	[smem:$0x3FB5] =	sst s9;
	s0 =	simm.s32 @!p0 $0x0  }
0x12: {  	s1 =	sld [smem:$0x3F9B];
	s0 =	simm.s32 @p0 $0x1  }
0x13: {  	[smem:$0x3FB6] =	sst s0;
	s0 =	simm.s32 @!p1 $0x0  }
0x14: {  	s2 =	sld [smem:$0x3F9A];
	s0 =	simm.s32 @p1 $0x1  }
0x15: {  	[smem:$0x3FB7] =	sst s0;
	s0 =	simm.s32 @!p2 $0x0  }
0x16: {  	s3 =	sld [smem:$0x3FDB];
	s0 =	simm.s32 @p2 $0x1  }
0x17: {  	s4 =	simm.s32 $0x1BF5;
	[smem:$0x3FB9] =	sst s0  }
0x18: {  	s0 =	sld [smem:$0x3F9C];
	_ =	swait.ge [sflag:s4], $0x0  }
0x19: {  	s7 =	sld [smem:$0x3F9D]  }
0x1a: {  	s8 =	sadd.s32 $0xFFFFE003, lr  }
0x1b: {  	s9 =	sadd.s32 $0xFFFFFEF7, lr;
	s5 =	simm.s32 $0xFFFFFFFF;
	p2 =	slt.u32 s8, $0xFFFFF086  }
0x1c: {  	p1 =	slt.u32 s9, $0xF7A;
	s5 =	simm.s32 @!p2 $0x0  }
0x1d: {  	s5 =	simm.s32 @p1 $0x1;
	p0 =	seq.s32 s7, s2  }
0x1e: {  	s7 =	smul.u32 @!p0 $0xF7A, s2;
	p2 =	seq.s32 @!p0 s5, $0x0  }
0x1f: {  	s9 =	smul.u32 $0xF7A, s1;
	s8 =	simm.s32 @!p0 $0x1BF5;
	p2 =	por !p2, p0  }
0x20: {  	[sflag:s8] =	ssyncset.s32 @!p0 $0xFFFFF086;
	s6 =	sadd.s32 @!p0 s3, s7;
	s7 =	simm.s32 @!p0 $0x108  }
0x21: {  	s3 =	sadd.s32 s3, s9;
	s6 =	sadd.s32 @!p0 $0x88, s6;
	s7 =	simm.s32 @p2 $0x1082  }
0x22: {  	[simem:s7], [sflag:s8] =	dma.local @!p0 [hbm:s6], $0xF7A  }
0x23: {  	s9 =	sor.u32 $0xD0000000, s2;
	s6 =	simm.s32 $0x108;
	_ =	swait.ge @!p0 [sflag:s8], $0x0  }
0x24: {  	s3 =	sadd.s32 $0x88, s3;
	s6 =	simm.s32 @!p1 $0x1082;
	[sflag:s4] =	ssyncset.s32 $0xFFFFF086  }
0x25: {  	[simem:s6], [sflag:s4] =	dma.local [hbm:s3], $0xF7A  }
0x26: {  	[smem:$0x3F9D] =	sst s1;
	(tag) =	ssettag s2;
	_ =	strace s9  }
0x27: {  	s1 =	sld [smem:$0x3FAD]  }
0x28: {  	s2 =	sld [smem:$0x3FAE]  }
0x29: {  	s4 =	sld [smem:$0x3FB0]  }
0x2a: {  	p0 =	seq.s32 s5, $0x0;
	s5 =	sld [smem:$0x3FB1]  }
0x2b: {  	s6 =	sld [smem:$0x3FB2]  }
0x2c: {  	s7 =	sld [smem:$0x3FB3]  }
0x2d: {  	s3 =	simm.s32 $0x108;
	s8 =	sld [smem:$0x3FB4]  }
0x2e: {  	s3 =	simm.s32 @!p0 $0x1082;
	s9 =	sld [smem:$0x3FB5]  }
0x2f: {  	lr =	sadd.s32 s0, s3;
	s0 =	sld [smem:$0x3FAC]  }
0x30: {  	s3 =	sld [smem:$0x3FAF]  }
0x31: {  	[smem:$0x3FB8] =	sst s10  }
0x32: {  	s10 =	sld [smem:$0x3FB6];
	_ =	sdelay $0x3  }
0x33: {  	p0 =	seq.s32 s10, $0x1;
	s10 =	sld [smem:$0x3FB8];
	_ =	sdelay $0x3  }
0x34: {  	[smem:$0x3FB8] =	sst s10  }
0x35: {  	s10 =	sld [smem:$0x3FB7];
	_ =	sdelay $0x3  }
0x36: {  	p1 =	seq.s32 s10, $0x1;
	s10 =	sld [smem:$0x3FB8];
	_ =	sdelay $0x3  }
0x37: {  	[smem:$0x3FB8] =	sst s10  }
0x38: {  	s10 =	sld [smem:$0x3FB9]  }
0x39: {  	_ = 	snop;
	(pc) =	sbr.ind lr, $3  }
0x3a: {  	_ = 	snop  }
0x3b: {  	_ = 	snop  }
0x3c: {  	p2 =	seq.s32 s10, $0x1;
	s10 =	sld [smem:$0x3FB8]  }
0x3d: {  	_ =	shalt  }
0x3e: {  	_ =	shalt  }
0x3f: {  	_ =	shalt  }
0x40: {  	_ =	shalt  }
0x41: {  	_ =	shalt  }
0x42: {  	_ =	shalt  }
0x43: {  	_ =	shalt  }
0x44: {  	_ =	shalt  }
0x45: {  	_ =	shalt  }
0x46: {  	_ =	shalt  }
0x47: {  	_ =	shalt  }
0x48: {  	_ =	shalt  }
0x49: {  	_ =	shalt  }
0x4a: {  	_ =	shalt  }
0x4b: {  	_ =	shalt  }
0x4c: {  	_ =	shalt  }
0x4d: {  	_ =	shalt  }
0x4e: {  	_ =	shalt  }
0x4f: {  	_ =	shalt  }
0x50: {  	_ =	shalt  }
0x51: {  	_ =	shalt  }
0x52: {  	_ =	shalt  }
0x53: {  	_ =	shalt  }
0x54: {  	_ =	shalt  }
0x55: {  	_ =	shalt  }
0x56: {  	_ =	shalt  }
0x57: {  	_ =	shalt  }
0x58: {  	_ =	shalt  }
0x59: {  	_ =	shalt  }
0x5a: {  	_ =	shalt  }
0x5b: {  	_ =	shalt  }
0x5c: {  	_ =	shalt  }
0x5d: {  	_ =	shalt  }
0x5e: {  	_ =	shalt  }
0x5f: {  	_ =	shalt  }
0x60: {  	_ =	shalt  }
0x61: {  	_ =	shalt  }
0x62: {  	_ =	shalt  }
0x63: {  	_ =	shalt  }
0x64: {  	_ =	shalt  }
0x65: {  	_ =	shalt  }
0x66: {  	_ =	shalt  }
0x67: {  	_ =	shalt  }
0x68: {  	_ =	shalt  }
0x69: {  	_ =	shalt  }
0x6a: {  	_ =	shalt  }
0x6b: {  	_ =	shalt  }
0x6c: {  	_ =	shalt  }
0x6d: {  	_ =	shalt  }
0x6e: {  	_ =	shalt  }
0x6f: {  	_ =	shalt  }
0x70: {  	_ =	shalt  }
0x71: {  	_ =	shalt  }
0x72: {  	_ =	shalt  }
0x73: {  	_ =	shalt  }
0x74: {  	_ =	shalt  }
0x75: {  	_ =	shalt  }
0x76: {  	_ =	shalt  }
0x77: {  	_ =	shalt  }
0x78: {  	_ =	shalt  }
0x79: {  	_ =	shalt  }
0x7a: {  	_ =	shalt  }
0x7b: {  	_ =	shalt  }
0x7c: {  	_ =	shalt  }
0x7d: {  	_ =	shalt  }
0x7e: {  	_ =	shalt  }
0x7f: {  	_ =	shalt  }
0x80: {  	_ =	shalt  }
0x81: {  	_ =	shalt  }
0x82: {  	_ =	shalt  }
0x83: {  	_ =	shalt  }
0x84: {  	_ =	shalt  }
0x85: {  	_ =	shalt  }
0x86: {  	_ =	shalt  }
0x87: {  	_ =	shalt  }
.Lfunc_end0:
.L_simem_size_0:
called_computation_lowered:
.L_overlay_start_0:
0x88: {  	s2 =	sld [smem:$0x3FD9]  }
0x89: {  	s3 =	sld [smem:$0x3FFE];
	_ =	sdelay $0x1  }
0x8a: {  	s1 =	srdreg.scid  }
0x8b: {  	s0 =	sand.u32 $0x1, s1  }
0x8c: {  	s17 =	sshll.u32 s0, $0xA;
	s2 =	sadd.s32 s3, s2  }
0x8d: {  	s2 =	sadd.s32 s2, s17  }
0x8e: {  	[smem:$0x3FC4] =	sst s2  }
0x8f: {  	_ = 	snop  }
0x90: {  	s2 =	sld [smem:$0x3FC9]  }
0x91: {  	s18 =	sld [smem:$0x3FD0];
	(tm) =	ssettm $0x1  }
0x92: {  	s4 =	sld [smem:$0x3FFB];
	_ =	sdelay $0x3  }
0x93: {  	_ =	strace s4  }
0x94: {  	s4 =	sld [smem:$0x3FFC];
	_ =	sdelay $0x3  }
0x95: {  	_ =	strace s4  }
0x96: {  	s4 =	sld [smem:$0x3FFD];
	_ =	sdelay $0x3  }
0x97: {  	_ =	strace s4  }
0x98: {  	_ =	strace $0x8FFFFFFF  }
0x99: {  	s19 =	sld [smem:$0x3FDB];
	_ =	sdelay $0x1  }
0x9a: {  	s5 =	simm.s32 $_scs_section_size  }
0x9b: {  	s6 =	simm.s32 $_size__tile_overlayer_lowered;
	s7 =	simm.s32 $_tile_overlayer_lowered  }
0x9c: {  	s22 =	simm.s32 $0x1BFF;
	s21 =	sshll.u32 s7, $0x1;
	s4 =	sadd.s32 s5, s19  }
0x9d: {  	s8 =	simm.s32 $0x0;
	s20 =	sshll.u32 s6, $0x1;
	s6 =	sadd.s32 s21, s4  }
0x9e: {  	[timem:s8], [sflag:s22] =	dma.local [hbm:s6], s20  }
0x9f: {  	_ =	swait.ge [sflag:s22], s20  }
0xa0: {  	s5 =	ssub.s32 $0x0, s20;
	[sflag:s22] =	ssyncset.done $0x0  }
0xa1: {  	[sflag:s22] =	ssyncadd.s32 s5;
	_ =	sdelay $0x1  }
0xa2: {  	s23 =	simm.s32 $0x1B8B  }
0xa3: {  	_ =	swait.ge [sflag:s23], $0x1  }
0xa4: {  	[sflag:s23] =	ssyncset.done $0x0  }
0xa5: {  	s25 =	simm.s32 $0x1B8E;
	s24 =	sld [smem:$0x3FFE];
	[sflag:s23] =	ssyncadd.s32 $0xFFFFFFFF  }
0xa6: {  	s26 =	simm.s32 $execute0_lowered;
	[smem:$0x3FD2] =	sst s25  }
0xa7: {  	s6 =	sshll.u32 s26, $0x1;
	_ =	strace $0x80000046;
	[dreg:$0x1] =	wrdreg $0xFFFFFFFF  }
0xa8: {  	s28 =	simm.s32 $_size_execute0_lowered;
	s4 =	sadd.s32 s4, s6;
	[dreg:$0x0] =	wrdreg $0x0  }
0xa9: {  	s6 =	sshll.u32 s28, $0x1;
	[dreg:$0x2] =	wrdreg s4  }
0xaa: {  	[dreg:$0x3] =	wrdreg s6  }
0xab: {  	[dreg:$0x4] =	wrdreg $0xC0  }
0xac: {  	_ =	task [dreg:s8], $0x5FFFF  }
0xad: {  	[dreg:$0x1] =	wrdreg $0xFFFFFFFF  }
0xae: {  	[dreg:$0x0] =	wrdreg $0x60  }
0xaf: {  	[dreg:$0x2] =	wrdreg s24  }
0xb0: {  	[dreg:$0x3] =	wrdreg s2  }
0xb1: {  	[dreg:$0x4] =	wrdreg s18  }
0xb2: {  	[dreg:$0x5] =	wrdreg $0x9  }
0xb3: {  	_ =	task.clear_ibuf [dreg:s8], $0x6FFFF;
	_ =	strace $0x90000046  }
0xb4: {  	s29 =	simm.s32 $0x9;
	_ =	strace $0x80000048  }
0xb5: {  	_ =	swait.ge [sflag:s29], $0x1  }
0xb6: {  	[sflag:s29] =	ssyncadd.s32 $0xFFFFFFFF  }
0xb7: {  	_ =	strace $0x90000048  }
0xb8: {  	_ =	sfence  }
0xb9: {  	s30 =	sld [smem:$0x0];
	_ =	sdelay $0x2  }
0xba: {  	s31 =	sshll.u32 s1, $0xD;
	s1 =	sshrl.u32 s1, $0x2  }
0xbb: {  	s3 =	sand.u32 $0x4000, s31;
	s1 =	sadd.s32 s1, s30  }
0xbc: {  	s0 =	sor.u32 s3, s0;
	s1 =	sshll.u32 s1, $0x11  }
0xbd: {  	s0 =	sor.u32 s1, s0  }
0xbe: {  	s0 =	sadd.s32 $0x8F2B, s0  }
0xbf: {  	[sflag:s0] =	ssyncadd.remote.s32 $0x1  }
0xc0: {  	_ =	sfence.sel $0xFFFF  }
0xc1: {  	[dreg:$0x0] =	wrdreg $0xFFFFFFFF;
	(pc) =	sbr.abs _section_cstart, $3  }
0xc2: {  	[dreg:$0x1] =	wrdreg $0xFFFFFFFF  }
0xc3: {  	_ =	task.clear_ibuf [dreg:s8], $0x2FFFF;
	_ =	strace $0x9FFFFFFF  }
0xc4: {  	(tm) =	ssettm $0x7FFFFFFF  }
0xc5: {  	_ =	shalt  }
tec
execute0_lowered:
.L_overlay_start_1:
0x0: {  	(tag) =	ssettag $0x1  }
0x1: {  	s0 =	rddreg [dreg:$0x0]  }
0x2: {  	v16 =	vlaneseq.u32;
	s2 =	rddreg [dreg:$0x1];
	s29 =	simm.s32 $0x0  }
0x3: {  	[smem:$0x7FF] =	sst s29;
	v39 =	vor.u32 $0x1800, v16  }
0x4: {  	s1 =	rddreg [dreg:$0x2];
	v32 =	vor.u32 $0x1810, v16;
	_ =	strace $0x80000047;
	[tilespmem:$0x1FE60] =	vst v39  }
0x5: {  	v35 =	vor.u32 $0x1820, v16;
	[tilespmem:$0x1FE70] =	vst v32  }
0x6: {  	v36 =	vor.u32 $0x1830, v16;
	[tilespmem:$0x1FE80] =	vst v35  }
0x7: {  	v38 =	vor.u32 $0x1840, v16;
	[tilespmem:$0x1FE90] =	vst v36  }
0x8: {  	v37 =	vor.u32 $0x1850, v16;
	[tilespmem:$0x1FEA0] =	vst v38  }
0x9: {  	v41 =	vor.u32 $0x1860, v16;
	[tilespmem:$0x1FEB0] =	vst v37  }
0xa: {  	v42 =	vor.u32 $0x1870, v16;
	[tilespmem:$0x1FEC0] =	vst v41  }
0xb: {  	v0 =	vor.u32 $0x40, v16;
	[tilespmem:$0x1FED0] =	vst v42  }
0xc: {  	v1 =	vor.u32 $0x50, v16;
	[tilespmem:$0x1FEE0] =	vst v0  }
0xd: {  	v2 =	vor.u32 $0x60, v16;
	[tilespmem:$0x1FEF0] =	vst v1  }
0xe: {  	v3 =	vor.u32 $0x70, v16;
	[tilespmem:$0x1FF00] =	vst v2  }
0xf: {  	v10 =	vor.u32 $0x800, v16;
	[tilespmem:$0x1FF10] =	vst v3  }
0x10: {  	v12 =	vor.u32 $0x810, v16;
	[tilespmem:$0x1FFA0] =	vst v10  }
0x11: {  	v14 =	vor.u32 $0x820, v16;
	[tilespmem:$0x1FFB0] =	vst v12  }
0x12: {  	v40 =	vor.u32 $0x830, v16;
	[tilespmem:$0x1FFC0] =	vst v14  }
0x13: {  	v17 =	vmul.u32 $0x80, v16;
	v60 =	vor.u32 $0x1040, v16;
	[tilespmem:$0x1FFD0] =	vst v40  }
0x14: {  	v61 =	vor.u32 $0x1050, v16;
	[tilespmem:$0x1FFE0] =	vst v60  }
0x15: {  	[tilespmem:$0x1FFF0] =	vst v61;
	v29 =	vor.u32 $0x830, v17  }
0x16: {  	v43 =	vor.u32 $0x1030, v17;
	[tilespmem:$0x1FDF0] =	vst v29  }
0x17: {  	v25 =	vor.u32 $0x10, v16;
	v26 =	vor.u32 $0x20, v16;
	v30 =	vor.u32 $0x1830, v17;
	[tilespmem:$0x1FE00] =	vst v43  }
0x18: {  	v27 =	vor.u32 $0x30, v16;
	v44 =	vor.u32 $0x840, v16;
	v31 =	vor.u32 $0x2030, v17;
	[tilespmem:$0x1FE10] =	vst v30  }
0x19: {  	v45 =	vor.u32 $0x850, v16;
	v46 =	vor.u32 $0x860, v16;
	v33 =	vor.u32 $0x2830, v17;
	[tilespmem:$0x1FE20] =	vst v31  }
0x1a: {  	s3 =	srdreg.scid;
	s5 =	stileid.u32;
	v47 =	vor.u32 $0x870, v16;
	v56 =	vor.u32 $0x1000, v16;
	v34 =	vor.u32 $0x3030, v17;
	[tilespmem:$0x1FE30] =	vst v33  }
0x1b: {  	s10 =	simm.s32 $0x400;
	s11 =	simm.s32 $0x8000;
	s12 =	simm.s32 $0x7;
	v57 =	vor.u32 $0x1010, v16;
	v58 =	vor.u32 $0x1020, v16;
	v28 =	vor.u32 $0x3830, v17;
	[tilespmem:$0x1FE40] =	vst v34  }
0x1c: {  	s13 =	simm.s32 $0x80;
	s14 =	simm.s32 $0x6400;
	s15 =	simm.s32 $0xA400;
	v59 =	vor.u32 $0x1030, v16;
	v62 =	vor.u32 $0x1060, v16;
	v9 =	vor.u32 $0x1010, v17;
	[tilespmem:$0x1FE50] =	vst v28  }
0x1d: {  	s17 =	simm.s32 $0xE400;
	s18 =	simm.s32 $0x1;
	s19 =	simm.s32 $0x12400;
	v63 =	vor.u32 $0x1070, v16;
	v18 =	vor.u32 $0x800, v17;
	v5 =	vor.u32 $0x810, v17;
	[tilespmem:$0x1FF20] =	vst v9  }
0x1e: {  	s20 =	simm.s32 $0x16400;
	s21 =	simm.s32 $0x2;
	s22 =	simm.s32 $0x18400;
	v19 =	vor.u32 $0x1000, v17;
	v20 =	vor.u32 $0x1800, v17;
	v4 =	vor.u32 $0x10, v17;
	[tilespmem:$0x1FF30] =	vst v5  }
0x1f: {  	s23 =	simm.s32 $0x3;
	s24 =	simm.s32 $0x5;
	s25 =	simm.s32 $0x4;
	v21 =	vor.u32 $0x2000, v17;
	v22 =	vor.u32 $0x2800, v17;
	v7 =	vor.u32 $0x1810, v17;
	[tilespmem:$0x1FF40] =	vst v4  }
0x20: {  	s26 =	simm.s32 $0x6;
	s28 =	simm.s32 $0x0;
	s4 =	sand.u32 $0x1, s3;
	v23 =	vor.u32 $0x3000, v17;
	v24 =	vor.u32 $0x3800, v17;
	v13 =	vor.u32 $0x3810, v17;
	[tilespmem:$0x1FF50] =	vst v7  }
0x21: {  	s5 =	sshll.u32 s5, $0xB;
	s6 =	sshll.u32 s4, $0xA;
	s7 =	ssub.s32 $0x2, s4;
	v8 =	vor.u32 $0x2010, v17;
	v6 =	vor.u32 $0x2810, v17;
	v11 =	vor.u32 $0x3010, v17;
	[tilespmem:$0x1FF60] =	vst v13  }
0x22: {  	v48 =	vor.u32 $0x20, v17;
	v49 =	vor.u32 $0x820, v17;
	s4 =	sor.u32 s6, s5;
	v50 =	vor.u32 $0x1020, v17;
	s30 =	sshrl.u32 s7, $0x1;
	s5 =	sadd.s32 $0x400, s0;
	[tilespmem:$0x1FF70] =	vst v11  }
0x23: {  	v51 =	vor.u32 $0x1820, v17;
	v52 =	vor.u32 $0x2020, v17;
	v53 =	vor.u32 $0x2820, v17;
	s8 =	sshrl.u32 s4, $0x3;
	s31 =	ssub.s32 s7, s30;
	s7 =	sadd.s32 $0x8000, s1;
	[tilespmem:$0x1FF80] =	vst v8  }
0x24: {  	v54 =	vor.u32 $0x3020, v17;
	v55 =	vor.u32 $0x3820, v17;
	v15 =	vor.u32 $0x30, v17;
	[tilespmem:$0x1FF90] =	vst v6;
	s6 =	sadd.s32 s2, s8;
	s8 =	sadd.s32 $0x10000, s1;
	s9 =	smax.u32 s31, $0x1  }
.LBB2_1:
0x25: {  	s0 =	simm.s32 $0x0  }
0x26: {  	[tilespmem:s0], [sflag:$0x7] =	stream.strided.gather [hbm4b:s6+s10], $0x6400, s11, s10, $0x38;
	[tilespmem:$0x1A400] =	vst v63  }
0x27: {  	_ =	swait.ge [sflag:s12], $0x6400  }
0x28: {  	[sflag:s12] =	ssyncset.done $0x0  }
0x29: {  	[sflag:s12] =	ssyncadd.s32 $0xFFFF9C00  }
0x2a: {  	[tilespmem:s14], [sflag:$0x1] =	stream.indirect.gather [hbm4b:s5+s13], $0x80, s0, s13, $0xb8;
	[tilespmem:$0x1A400] =	vst v63  }
0x2b: {  	_ = 	snop  }
0x2c: {  	[tilespmem:s15], [sflag:$0x2] =	stream.indirect.gather [hbm4b:s5+s13], $0x80, s13, s13, $0xb8;
	[tilespmem:$0x1A400] =	vst v63  }
0x2d: {  	s31 =	simm.s32 $0x100;
	s29 =	simm.s32 $0x0  }
0x2e: {  	[tilespmem:s17], [sflag:$0x3] =	stream.indirect.gather [hbm4b:s5+s13], $0x80, s31, s13, $0xb8;
	[tilespmem:$0x1A400] =	vst v63  }
.LBB2_2:
0x2f: {  	_ =	swait.ge [sflag:s18], $0x4000;
	s30 =	sshllo.u32 s29, $0x2;
	s2 =	simm.s32 $0x0  }
0x30: {  	v34 =	vmov v2;
	[sflag:s18] =	ssyncset.done $0x0;
	s0 =	sshll.u32 s30, $0x7;
	v2 =	vadd.s32 s2, v16  }
0x31: {  	v36 =	vmov v1;
	p0 =	seq.s32 s29, $0x0;
	[sflag:s18] =	ssyncadd.s32 $0xFFFFC000;
	s0 =	sand.u32 $0x3FFFFF80, s0;
	v1 =	vand.u32 $0xF, v2  }
0x32: {  	v32 =	vmov v0;
	[tilespmem:s19], [sflag:$0x4] =	stream.indirect.gather [hbm4b:s5+s13], $0x80, s0, s13, $0xb8;
	v0 =	vor.u32 v18, v1;
	[tilespmem:$0x1A400] =	vst v63  }
0x33: {  	v39 =	vmov v3;
	s0 =	simm.s32 @!p0 $0x5;
	v3 =	vor.u32 v20, v1  }
0x34: {  	_ =	swait.ge @!p0 [sflag:s0], $0x2000  }
0x35: {  	[sflag:s0] =	ssyncset.done @!p0 $0x0  }
0x36: {  	[sflag:s0] =	ssyncadd.s32 @!p0 $0xFFFFE000  }
0x37: {  	v33 =	vmov v54;
	v54 =	vld.idx.msk [tilespmem:v0+s14+$0x0], $0xffff  }
0x38: {  	v0 =	vld.idx.msk [tilespmem:v3+s14+$0x0], $0xffff  }
0x39: {  	v38 =	vmov v4;
	v4 =	vor.u32 v17, v1  }
0x3a: {  	v42 =	vmov v55;
	v55 =	vmov v5;
	v5 =	vor.u32 v19, v1  }
0x3b: {  	v35 =	vmov v6;
	v6 =	vor.u32 v21, v1  }
0x3c: {  	v41 =	vmov v56;
	v56 =	vmov v8;
	v8 =	vor.u32 v22, v1  }
0x3d: {  	v61 =	vmov v9;
	v9 =	vor.u32 v24, v1;
	[tilespmem:$0x1FDE0] =	vst v0;
	v0 =	vshll.u32 v1, $0x7  }
0x3e: {  	v60 =	vmov v7;
	v3 =	vor.u32 v23, v1;
	v7 =	vld.idx.msk [tilespmem:v4+s14+$0x0], $0xffff;
	v4 =	vor.u32 v16, v0  }
0x3f: {  	v28 =	vld.idx.msk [tilespmem:v5+s14+$0x0], $0xffff;
	v5 =	vor.u32 v25, v0  }
0x40: {  	v29 =	vld.idx.msk [tilespmem:v6+s14+$0x0], $0xffff;
	v6 =	vor.u32 v26, v0  }
0x41: {  	v40 =	vmov v57;
	v57 =	vld.idx.msk [tilespmem:v8+s14+$0x0], $0xffff  }
0x42: {  	v9 =	vld.idx.msk [tilespmem:v9+s14+$0x0], $0xffff  }
0x43: {  	v8 =	vld.idx.msk [tilespmem:v3+s14+$0x0], $0xffff;
	[tilespmem:v4+s20+$0x0] =	vst.idx.msk $0xffff, v7  }
0x44: {  	[tilespmem:v5+s20+$0x0] =	vst.idx.msk $0xffff, v54  }
0x45: {  	v37 =	vor.u32 v27, v0;
	[tilespmem:v6+s20+$0x0] =	vst.idx.msk $0xffff, v28;
	v6 =	vld [tilespmem:$0x1FDE0]  }
0x46: {  	v3 =	vor.u32 v32, v0  }
0x47: {  	v4 =	vor.u32 v36, v0  }
0x48: {  	v7 =	vor.u32 v34, v0  }
0x49: {  	v5 =	vor.u32 v39, v0  }
0x4a: {  	v28 =	vor.u32 v61, v2;
	[tilespmem:v37+s20+$0x0] =	vst.idx.msk $0xffff, v6  }
0x4b: {  	[tilespmem:v3+s20+$0x0] =	vst.idx.msk $0xffff, v29;
	v3 =	vor.u32 v55, v2  }
0x4c: {  	[tilespmem:v4+s20+$0x0] =	vst.idx.msk $0xffff, v57;
	v4 =	vor.u32 v38, v2  }
0x4d: {  	v6 =	vor.u32 v60, v2;
	[tilespmem:v7+s20+$0x0] =	vst.idx.msk $0xffff, v8  }
0x4e: {  	v32 =	vld [tilespmem:$0x1FFD0];
	v8 =	vor.u32 v11, v2;
	[tilespmem:v5+s20+$0x0] =	vst.idx.msk $0xffff, v9  }
0x4f: {  	v9 =	vor.u32 v56, v2;
	v29 =	vld.idx.msk [tilespmem:v28+s14+$0x0], $0xffff  }
0x50: {  	v7 =	vld.idx.msk [tilespmem:v3+s14+$0x0], $0xffff;
	v3 =	vor.u32 v35, v2  }
0x51: {  	v38 =	vmov v11;
	v11 =	vor.u32 v10, v0;
	v5 =	vor.u32 v13, v2;
	v4 =	vld.idx.msk [tilespmem:v4+s14+$0x0], $0xffff  }
0x52: {  	v6 =	vld.idx.msk [tilespmem:v6+s14+$0x0], $0xffff;
	v28 =	vor.u32 v12, v0  }
0x53: {  	v13 =	vor.u32 v14, v0;
	v8 =	vld.idx.msk [tilespmem:v8+s14+$0x0], $0xffff  }
0x54: {  	v14 =	vor.u32 v32, v0;
	v9 =	vld.idx.msk [tilespmem:v9+s14+$0x0], $0xffff  }
0x55: {  	v10 =	vld.idx.msk [tilespmem:v3+s14+$0x0], $0xffff;
	v3 =	vor.u32 v44, v0  }
0x56: {  	v5 =	vld.idx.msk [tilespmem:v5+s14+$0x0], $0xffff;
	[tilespmem:v11+s20+$0x0] =	vst.idx.msk $0xffff, v4;
	v4 =	vor.u32 v45, v0  }
0x57: {  	[tilespmem:v28+s20+$0x0] =	vst.idx.msk $0xffff, v7;
	v7 =	vor.u32 v46, v0  }
0x58: {  	v11 =	vor.u32 v47, v0;
	[tilespmem:v13+s20+$0x0] =	vst.idx.msk $0xffff, v29  }
0x59: {  	[tilespmem:v14+s20+$0x0] =	vst.idx.msk $0xffff, v6;
	v6 =	vor.u32 v50, v1  }
0x5a: {  	[tilespmem:v3+s20+$0x0] =	vst.idx.msk $0xffff, v9;
	v3 =	vor.u32 v49, v1  }
0x5b: {  	[tilespmem:v4+s20+$0x0] =	vst.idx.msk $0xffff, v10;
	v4 =	vor.u32 v48, v1  }
0x5c: {  	v61 =	vld [tilespmem:$0x1FFF0];
	v9 =	vor.u32 v42, v1;
	[tilespmem:v7+s20+$0x0] =	vst.idx.msk $0xffff, v8  }
0x5d: {  	v60 =	vld [tilespmem:$0x1FFE0];
	v7 =	vor.u32 v51, v1;
	[tilespmem:v11+s20+$0x0] =	vst.idx.msk $0xffff, v5  }
0x5e: {  	v8 =	vor.u32 v53, v1;
	v6 =	vld.idx.msk [tilespmem:v6+s14+$0x0], $0xffff  }
0x5f: {  	v5 =	vor.u32 v52, v1;
	v3 =	vld.idx.msk [tilespmem:v3+s14+$0x0], $0xffff  }
0x60: {  	v10 =	vor.u32 v41, v0;
	v1 =	vor.u32 v33, v1;
	v4 =	vld.idx.msk [tilespmem:v4+s14+$0x0], $0xffff  }
0x61: {  	v11 =	vor.u32 v40, v0;
	v9 =	vld.idx.msk [tilespmem:v9+s14+$0x0], $0xffff  }
0x62: {  	v12 =	vor.u32 v58, v0;
	v7 =	vld.idx.msk [tilespmem:v7+s14+$0x0], $0xffff  }
0x63: {  	v13 =	vor.u32 v59, v0;
	v8 =	vld.idx.msk [tilespmem:v8+s14+$0x0], $0xffff  }
0x64: {  	v14 =	vor.u32 v60, v0;
	v5 =	vld.idx.msk [tilespmem:v5+s14+$0x0], $0xffff  }
0x65: {  	v1 =	vld.idx.msk [tilespmem:v1+s14+$0x0], $0xffff;
	[tilespmem:v10+s20+$0x0] =	vst.idx.msk $0xffff, v4;
	v4 =	vor.u32 v61, v0  }
0x66: {  	[tilespmem:v11+s20+$0x0] =	vst.idx.msk $0xffff, v3;
	v3 =	vor.u32 v62, v0  }
0x67: {  	[tilespmem:v12+s20+$0x0] =	vst.idx.msk $0xffff, v6;
	v6 =	vor.u32 v63, v0  }
0x68: {  	v34 =	vld [tilespmem:$0x1FE70];
	[tilespmem:v13+s20+$0x0] =	vst.idx.msk $0xffff, v7  }
0x69: {  	v36 =	vld [tilespmem:$0x1FEA0];
	[tilespmem:v14+s20+$0x0] =	vst.idx.msk $0xffff, v5  }
0x6a: {  	v29 =	vld [tilespmem:$0x1FDF0];
	[tilespmem:v4+s20+$0x0] =	vst.idx.msk $0xffff, v8  }
0x6b: {  	v39 =	vld [tilespmem:$0x1FF60];
	v7 =	vor.u32 v43, v2;
	[tilespmem:v3+s20+$0x0] =	vst.idx.msk $0xffff, v1  }
0x6c: {  	v4 =	vor.u32 v31, v2;
	[tilespmem:v6+s20+$0x0] =	vst.idx.msk $0xffff, v9;
	v6 =	vld [tilespmem:$0x1FE30]  }
0x6d: {  	v37 =	vld [tilespmem:$0x1FE90]  }
0x6e: {  	v35 =	vld [tilespmem:$0x1FE80]  }
0x6f: {  	v28 =	vld [tilespmem:$0x1FE50];
	v5 =	vor.u32 v29, v2  }
0x70: {  	v1 =	vor.u32 v30, v2;
	v3 =	vld.idx.msk [tilespmem:v7+s14+$0x0], $0xffff  }
0x71: {  	v7 =	vor.u32 v6, v2;
	v6 =	vld.idx.msk [tilespmem:v4+s14+$0x0], $0xffff  }
0x72: {  	v4 =	vld [tilespmem:$0x1FE40]  }
0x73: {  	v55 =	vmov v42;
	v42 =	vld [tilespmem:$0x1FFC0]  }
0x74: {  	v8 =	vld.idx.msk [tilespmem:v5+s14+$0x0], $0xffff  }
0x75: {  	v10 =	vor.u32 v15, v2;
	v5 =	vld.idx.msk [tilespmem:v1+s14+$0x0], $0xffff  }
0x76: {  	v1 =	vld [tilespmem:$0x1FEB0]  }
0x77: {  	v11 =	vor.u32 v28, v2;
	v14 =	vor.u32 v4, v2;
	v2 =	vld [tilespmem:$0x1FE60]  }
0x78: {  	v56 =	vmov v41;
	v41 =	vld [tilespmem:$0x1FFB0]  }
0x79: {  	v57 =	vmov v40;
	v40 =	vld [tilespmem:$0x1FFA0]  }
0x7a: {  	v54 =	vmov v33;
	v33 =	vmov v43;
	v12 =	vor.u32 v34, v0;
	v9 =	vld.idx.msk [tilespmem:v10+s14+$0x0], $0xffff  }
0x7b: {  	v13 =	vor.u32 v35, v0;
	v43 =	vmovc v32;
	v32 =	vmov v28;
	v10 =	vor.u32 v37, v0;
	v7 =	vld.idx.msk [tilespmem:v7+s14+$0x0], $0xffff  }
0x7c: {  	s0 =	simm.s32 $0x1;
	v1 =	vor.u32 v1, v0;
	v4 =	vld.idx.msk [tilespmem:v11+s14+$0x0], $0xffff;
	v11 =	vor.u32 v36, v0;
	v2 =	vor.u32 v2, v0  }
.LBB2_3:
0x7d: {  	_ =	sdelay $0x2  }
0x7e: {  	v14 =	vld.idx.msk [tilespmem:v14+s14+$0x0], $0xffff  }
0x7f: {  	[tilespmem:v2+s20+$0x0] =	vst.idx.msk $0xffff, v9;
	v2 =	vld [tilespmem:$0x1FEC0]  }
0x80: {  	[tilespmem:v12+s20+$0x0] =	vst.idx.msk $0xffff, v8;
	v8 =	vld [tilespmem:$0x1FED0];
	_ =	sdelay $0x2  }
0x81: {  	s2 =	smov.u32 s0  }
0x82: {  	v9 =	vor.u32 v2, v0;
	v2 =	vadd.s32 s2, v16  }
0x83: {  	[tilespmem:v13+s20+$0x0] =	vst.idx.msk $0xffff, v3;
	v8 =	vor.u32 v8, v0;
	v12 =	vand.u32 $0xF, v2  }
0x84: {  	[tilespmem:v10+s20+$0x0] =	vst.idx.msk $0xffff, v5;
	v13 =	vor.u32 v18, v12  }
0x85: {  	[tilespmem:v11+s20+$0x0] =	vst.idx.msk $0xffff, v6;
	v5 =	vor.u32 v20, v12  }
0x86: {  	[tilespmem:v1+s20+$0x0] =	vst.idx.msk $0xffff, v7;
	v3 =	vor.u32 v17, v12  }
0x87: {  	v0 =	vshll.u32 v12, $0x7;
	v7 =	vor.u32 v19, v12;
	[tilespmem:v9+s20+$0x0] =	vst.idx.msk $0xffff, v14  }
0x88: {  	v10 =	vor.u32 v21, v12;
	v9 =	vor.u32 v16, v0;
	v16 =	vld [tilespmem:$0x1FEE0];
	[tilespmem:v8+s20+$0x0] =	vst.idx.msk $0xffff, v4  }
0x89: {  	v11 =	vor.u32 v24, v12;
	v4 =	vld.idx.msk [tilespmem:v13+s14+$0x0], $0xffff  }
0x8a: {  	v6 =	vor.u32 v23, v12;
	v5 =	vld.idx.msk [tilespmem:v5+s14+$0x0], $0xffff  }
0x8b: {  	v8 =	vor.u32 v22, v12;
	v3 =	vld.idx.msk [tilespmem:v3+s14+$0x0], $0xffff  }
0x8c: {  	v7 =	vld.idx.msk [tilespmem:v7+s14+$0x0], $0xffff  }
0x8d: {  	v10 =	vld.idx.msk [tilespmem:v10+s14+$0x0], $0xffff;
	v13 =	vor.u32 v25, v0  }
0x8e: {  	v14 =	vor.u32 v26, v0;
	v11 =	vld.idx.msk [tilespmem:v11+s14+$0x0], $0xffff  }
0x8f: {  	v6 =	vld.idx.msk [tilespmem:v6+s14+$0x0], $0xffff  }
0x90: {  	v8 =	vld.idx.msk [tilespmem:v8+s14+$0x0], $0xffff  }
0x91: {  	[tilespmem:v9+s20+$0x0] =	vst.idx.msk $0xffff, v3;
	v3 =	vld [tilespmem:$0x1FEF0]  }
0x92: {  	[tilespmem:v13+s20+$0x0] =	vst.idx.msk $0xffff, v4;
	v4 =	vld [tilespmem:$0x1FF00]  }
0x93: {  	[tilespmem:v14+s20+$0x0] =	vst.idx.msk $0xffff, v7;
	v7 =	vld [tilespmem:$0x1FF10]  }
0x94: {  	v28 =	vmov v15;
	v15 =	vor.u32 v27, v0;
	v9 =	vld [tilespmem:$0x1FF30]  }
0x95: {  	v16 =	vor.u32 v16, v0  }
0x96: {  	v3 =	vor.u32 v3, v0  }
0x97: {  	v4 =	vor.u32 v4, v0  }
0x98: {  	v7 =	vor.u32 v7, v0  }
0x99: {  	[tilespmem:v15+s20+$0x0] =	vst.idx.msk $0xffff, v5;
	v9 =	vor.u32 v9, v2  }
0x9a: {  	v5 =	vld [tilespmem:$0x1FF20];
	[tilespmem:v16+s20+$0x0] =	vst.idx.msk $0xffff, v10  }
0x9b: {  	[tilespmem:v3+s20+$0x0] =	vst.idx.msk $0xffff, v8;
	v3 =	vld [tilespmem:$0x1FF40]  }
0x9c: {  	v10 =	vld [tilespmem:$0x1FF90];
	[tilespmem:v4+s20+$0x0] =	vst.idx.msk $0xffff, v6  }
0x9d: {  	v4 =	vld [tilespmem:$0x1FF50];
	[tilespmem:v7+s20+$0x0] =	vst.idx.msk $0xffff, v11  }
0x9e: {  	v8 =	vld.idx.msk [tilespmem:v9+s14+$0x0], $0xffff  }
0x9f: {  	v5 =	vor.u32 v5, v2;
	v9 =	vld [tilespmem:$0x1FF80]  }
0xa0: {  	v3 =	vor.u32 v3, v2  }
0xa1: {  	v10 =	vor.u32 v10, v2  }
0xa2: {  	v6 =	vor.u32 v39, v2  }
0xa3: {  	v4 =	vor.u32 v4, v2  }
0xa4: {  	v5 =	vld.idx.msk [tilespmem:v5+s14+$0x0], $0xffff;
	v9 =	vor.u32 v9, v2  }
0xa5: {  	v7 =	vor.u32 v38, v2;
	v11 =	vor.u32 v40, v0;
	v3 =	vld.idx.msk [tilespmem:v3+s14+$0x0], $0xffff  }
0xa6: {  	v13 =	vor.u32 v41, v0;
	v10 =	vld.idx.msk [tilespmem:v10+s14+$0x0], $0xffff  }
0xa7: {  	v14 =	vor.u32 v42, v0;
	v6 =	vld.idx.msk [tilespmem:v6+s14+$0x0], $0xffff  }
0xa8: {  	v15 =	vor.u32 v43, v0;
	v4 =	vld.idx.msk [tilespmem:v4+s14+$0x0], $0xffff  }
0xa9: {  	v16 =	vor.u32 v44, v0;
	v9 =	vld.idx.msk [tilespmem:v9+s14+$0x0], $0xffff  }
0xaa: {  	v7 =	vld.idx.msk [tilespmem:v7+s14+$0x0], $0xffff;
	[tilespmem:v11+s20+$0x0] =	vst.idx.msk $0xffff, v3;
	v3 =	vor.u32 v45, v0  }
0xab: {  	[tilespmem:v13+s20+$0x0] =	vst.idx.msk $0xffff, v8;
	v8 =	vor.u32 v46, v0  }
0xac: {  	[tilespmem:v14+s20+$0x0] =	vst.idx.msk $0xffff, v5;
	v5 =	vor.u32 v47, v0  }
0xad: {  	[tilespmem:v15+s20+$0x0] =	vst.idx.msk $0xffff, v4;
	v4 =	vor.u32 v50, v12  }
0xae: {  	[tilespmem:v16+s20+$0x0] =	vst.idx.msk $0xffff, v9;
	v9 =	vor.u32 v49, v12  }
0xaf: {  	[tilespmem:v3+s20+$0x0] =	vst.idx.msk $0xffff, v10;
	v3 =	vor.u32 v48, v12  }
0xb0: {  	v10 =	vor.u32 v54, v12;
	[tilespmem:v8+s20+$0x0] =	vst.idx.msk $0xffff, v7  }
0xb1: {  	v7 =	vor.u32 v51, v12;
	[tilespmem:v5+s20+$0x0] =	vst.idx.msk $0xffff, v6  }
0xb2: {  	v5 =	vor.u32 v52, v12;
	v4 =	vld.idx.msk [tilespmem:v4+s14+$0x0], $0xffff  }
0xb3: {  	v6 =	vor.u32 v53, v12;
	v8 =	vld.idx.msk [tilespmem:v9+s14+$0x0], $0xffff  }
0xb4: {  	v11 =	vor.u32 v56, v0;
	v9 =	vor.u32 v55, v12;
	v3 =	vld.idx.msk [tilespmem:v3+s14+$0x0], $0xffff  }
0xb5: {  	v12 =	vor.u32 v57, v0;
	v10 =	vld.idx.msk [tilespmem:v10+s14+$0x0], $0xffff  }
0xb6: {  	v13 =	vor.u32 v58, v0;
	v7 =	vld.idx.msk [tilespmem:v7+s14+$0x0], $0xffff  }
0xb7: {  	v14 =	vor.u32 v59, v0;
	v5 =	vld.idx.msk [tilespmem:v5+s14+$0x0], $0xffff  }
0xb8: {  	v15 =	vor.u32 v60, v0;
	v6 =	vld.idx.msk [tilespmem:v6+s14+$0x0], $0xffff  }
0xb9: {  	v9 =	vld.idx.msk [tilespmem:v9+s14+$0x0], $0xffff;
	[tilespmem:v11+s20+$0x0] =	vst.idx.msk $0xffff, v3;
	v3 =	vor.u32 v61, v0  }
0xba: {  	[tilespmem:v12+s20+$0x0] =	vst.idx.msk $0xffff, v8;
	v8 =	vor.u32 v62, v0  }
0xbb: {  	[tilespmem:v13+s20+$0x0] =	vst.idx.msk $0xffff, v4;
	v4 =	vor.u32 v63, v0  }
0xbc: {  	[tilespmem:v14+s20+$0x0] =	vst.idx.msk $0xffff, v7;
	v7 =	vor.u32 v33, v2  }
0xbd: {  	[tilespmem:v15+s20+$0x0] =	vst.idx.msk $0xffff, v5  }
0xbe: {  	v5 =	vor.u32 v28, v2;
	[tilespmem:v3+s20+$0x0] =	vst.idx.msk $0xffff, v6  }
0xbf: {  	[tilespmem:v8+s20+$0x0] =	vst.idx.msk $0xffff, v10  }
0xc0: {  	[tilespmem:v4+s20+$0x0] =	vst.idx.msk $0xffff, v9  }
0xc1: {  	v3 =	vld.idx.msk [tilespmem:v7+s14+$0x0], $0xffff  }
0xc2: {  	v7 =	vld [tilespmem:$0x1FE30]  }
0xc3: {  	v11 =	vor.u32 v29, v2;
	v9 =	vld.idx.msk [tilespmem:v5+s14+$0x0], $0xffff  }
0xc4: {  	v5 =	vld [tilespmem:$0x1FE40];
	_ =	sdelay $0x1  }
0xc5: {  	v6 =	vor.u32 v30, v2  }
0xc6: {  	v1 =	vld [tilespmem:$0x1FEB0];
	v4 =	vor.u32 v31, v2  }
0xc7: {  	v8 =	vld.idx.msk [tilespmem:v11+s14+$0x0], $0xffff;
	v11 =	vor.u32 v32, v2  }
0xc8: {  	p0 =	sne.s32 s0, $0xF;
	v7 =	vor.u32 v7, v2;
	v14 =	vor.u32 v5, v2;
	v2 =	vld [tilespmem:$0x1FE60]  }
.Ltmp0:
0xc9: {  	_ = 	snop;
	(pc) =	sbr.rel @p0 .LBB2_3-.Ltmp0, $4  }
0xca: {  	v5 =	vld.idx.msk [tilespmem:v6+s14+$0x0], $0xffff  }
0xcb: {  	v1 =	vor.u32 v1, v0;
	v6 =	vld.idx.msk [tilespmem:v4+s14+$0x0], $0xffff  }
0xcc: {  	v16 =	vlaneseq.u32;
	v12 =	vor.u32 v34, v0;
	v13 =	vor.u32 v35, v0;
	v15 =	vmovc v28;
	v4 =	vld.idx.msk [tilespmem:v11+s14+$0x0], $0xffff  }
0xcd: {  	s0 =	sadd.s32 $0x1, s0;
	v10 =	vor.u32 v37, v0;
	v11 =	vor.u32 v36, v0;
	v7 =	vld.idx.msk [tilespmem:v7+s14+$0x0], $0xffff;
	v2 =	vor.u32 v2, v0  }
0xce: {  	_ =	sdelay $0x3  }
0xcf: {  	v14 =	vld.idx.msk [tilespmem:v14+s14+$0x0], $0xffff  }
0xd0: {  	[tilespmem:v2+s20+$0x0] =	vst.idx.msk $0xffff, v9;
	v2 =	vld [tilespmem:$0x1FEC0]  }
0xd1: {  	[tilespmem:v12+s20+$0x0] =	vst.idx.msk $0xffff, v8;
	v8 =	vld [tilespmem:$0x1FED0];
	_ =	sdelay $0x2  }
0xd2: {  	v37 =	vld [tilespmem:$0x1FF90]  }
0xd3: {  	v36 =	vld [tilespmem:$0x1FF80];
	v2 =	vor.u32 v2, v0  }
0xd4: {  	v35 =	vld [tilespmem:$0x1FF50];
	[tilespmem:v13+s20+$0x0] =	vst.idx.msk $0xffff, v3;
	v0 =	vor.u32 v8, v0  }
0xd5: {  	v34 =	vld [tilespmem:$0x1FF20];
	[tilespmem:v10+s20+$0x0] =	vst.idx.msk $0xffff, v5  }
0xd6: {  	v33 =	vld [tilespmem:$0x1FF30];
	s0 =	sshll.u32 s29, $0x14;
	[tilespmem:v11+s20+$0x0] =	vst.idx.msk $0xffff, v6  }
0xd7: {  	v32 =	vld [tilespmem:$0x1FF40];
	s0 =	sor.u32 s4, s0;
	[tilespmem:v1+s20+$0x0] =	vst.idx.msk $0xffff, v7  }
0xd8: {  	v31 =	vld [tilespmem:$0x1FF10];
	s31 =	sshrl.u32 s0, $0x3;
	[tilespmem:v2+s20+$0x0] =	vst.idx.msk $0xffff, v14  }
0xd9: {  	v30 =	vld [tilespmem:$0x1FF00];
	p0 =	seq.s32 s29, $0x31;
	s0 =	sadd.s32 s1, s31;
	[tilespmem:v0+s20+$0x0] =	vst.idx.msk $0xffff, v4  }
0xda: {  	v29 =	vld [tilespmem:$0x1FEF0];
	[hbm4b:s0+s10] =	stream.strided.scatter [tilespmem:s20], [sflag:$0x5], $0x2000, s11, s10, $0x38  }
0xdb: {  	v15 =	vld [tilespmem:$0x1FEE0];
	s0 =	sshll.u32 @!p0 s29, $0x9;
	_ =	swait.ge [sflag:s21], $0x4000  }
0xdc: {  	s16 =	simm.s32 @!p0 $0x80;
	s0 =	sand.u32 @!p0 $0x3FFFFE00, s0;
	[sflag:s21] =	ssyncset.done $0x0  }
0xdd: {  	s3 =	simm.s32 @!p0 $0x6400;
	s2 =	sadd.s32 @!p0 $0x200, s0;
	[sflag:s21] =	ssyncadd.s32 $0xFFFFC000  }
0xde: {  	[tilespmem:s3], [sflag:$0x1] =	stream.indirect.gather @!p0 [hbm4b:s5+s16], $0x80, s2, s16, $0xb8;
	[tilespmem:$0x1A400] =	vst v63  }
0xdf: {  	s16 =	simm.s32 $0x0  }
0xe0: {  	v2 =	vadd.s32 s16, v16  }
0xe1: {  	v1 =	vand.u32 $0xF, v2  }
0xe2: {  	p1 =	seq.s32 @!p0 s29, $0x0;
	v0 =	vor.u32 v18, v1  }
0xe3: {  	p1 =	por p0, !p1;
	v3 =	vor.u32 v20, v1  }
0xe4: {  	_ =	swait.ge @p1 [sflag:s26], $0x2000;
	v4 =	vor.u32 v17, v1  }
0xe5: {  	[sflag:s26] =	ssyncset.done @p1 $0x0;
	v5 =	vor.u32 v19, v1  }
0xe6: {  	[sflag:s26] =	ssyncadd.s32 @p1 $0xFFFFE000;
	v6 =	vor.u32 v21, v1  }
0xe7: {  	v8 =	vor.u32 v22, v1;
	v7 =	vld.idx.msk [tilespmem:v0+s15+$0x0], $0xffff  }
0xe8: {  	v9 =	vor.u32 v24, v1;
	v3 =	vld.idx.msk [tilespmem:v3+s15+$0x0], $0xffff;
	v0 =	vshll.u32 v1, $0x7  }
0xe9: {  	v10 =	vor.u32 v23, v1;
	v4 =	vld.idx.msk [tilespmem:v4+s15+$0x0], $0xffff;
	v11 =	vor.u32 v16, v0  }
0xea: {  	v5 =	vld.idx.msk [tilespmem:v5+s15+$0x0], $0xffff;
	v12 =	vor.u32 v25, v0  }
0xeb: {  	v6 =	vld.idx.msk [tilespmem:v6+s15+$0x0], $0xffff;
	v13 =	vor.u32 v26, v0  }
0xec: {  	v8 =	vld.idx.msk [tilespmem:v8+s15+$0x0], $0xffff;
	v14 =	vor.u32 v27, v0  }
0xed: {  	v9 =	vld.idx.msk [tilespmem:v9+s15+$0x0], $0xffff;
	v15 =	vor.u32 v15, v0  }
0xee: {  	v10 =	vld.idx.msk [tilespmem:v10+s15+$0x0], $0xffff;
	[tilespmem:v11+s22+$0x0] =	vst.idx.msk $0xffff, v4;
	v4 =	vor.u32 v29, v0  }
0xef: {  	[tilespmem:v12+s22+$0x0] =	vst.idx.msk $0xffff, v7;
	v7 =	vor.u32 v30, v0  }
0xf0: {  	[tilespmem:v13+s22+$0x0] =	vst.idx.msk $0xffff, v5;
	v5 =	vor.u32 v31, v0  }
0xf1: {  	[tilespmem:v14+s22+$0x0] =	vst.idx.msk $0xffff, v3;
	v3 =	vor.u32 v34, v2  }
0xf2: {  	[tilespmem:v15+s22+$0x0] =	vst.idx.msk $0xffff, v6;
	v6 =	vor.u32 v33, v2  }
0xf3: {  	[tilespmem:v4+s22+$0x0] =	vst.idx.msk $0xffff, v8;
	v4 =	vor.u32 v32, v2  }
0xf4: {  	v8 =	vor.u32 v38, v2;
	[tilespmem:v7+s22+$0x0] =	vst.idx.msk $0xffff, v10  }
0xf5: {  	v29 =	vld [tilespmem:$0x1FDF0];
	v7 =	vor.u32 v35, v2;
	[tilespmem:v5+s22+$0x0] =	vst.idx.msk $0xffff, v9  }
0xf6: {  	v10 =	vor.u32 v37, v2;
	v3 =	vld.idx.msk [tilespmem:v3+s15+$0x0], $0xffff  }
0xf7: {  	v9 =	vor.u32 v36, v2;
	v6 =	vld.idx.msk [tilespmem:v6+s15+$0x0], $0xffff  }
0xf8: {  	v11 =	vor.u32 v40, v0;
	v5 =	vor.u32 v39, v2;
	v4 =	vld.idx.msk [tilespmem:v4+s15+$0x0], $0xffff  }
0xf9: {  	v12 =	vor.u32 v41, v0;
	v8 =	vld.idx.msk [tilespmem:v8+s15+$0x0], $0xffff  }
0xfa: {  	v13 =	vor.u32 v42, v0;
	v7 =	vld.idx.msk [tilespmem:v7+s15+$0x0], $0xffff  }
0xfb: {  	v14 =	vor.u32 v43, v0;
	v10 =	vld.idx.msk [tilespmem:v10+s15+$0x0], $0xffff  }
0xfc: {  	v15 =	vor.u32 v44, v0;
	v9 =	vld.idx.msk [tilespmem:v9+s15+$0x0], $0xffff  }
0xfd: {  	v5 =	vld.idx.msk [tilespmem:v5+s15+$0x0], $0xffff;
	[tilespmem:v11+s22+$0x0] =	vst.idx.msk $0xffff, v4;
	v4 =	vor.u32 v45, v0  }
0xfe: {  	v40 =	vld [tilespmem:$0x1FEB0];
	[tilespmem:v12+s22+$0x0] =	vst.idx.msk $0xffff, v6;
	v6 =	vor.u32 v46, v0  }
0xff: {  	v30 =	vld [tilespmem:$0x1FE10];
	[tilespmem:v13+s22+$0x0] =	vst.idx.msk $0xffff, v3;
	v3 =	vor.u32 v47, v0  }
0x100: {  	v41 =	vld [tilespmem:$0x1FEC0];
	[tilespmem:v14+s22+$0x0] =	vst.idx.msk $0xffff, v7;
	v7 =	vor.u32 v50, v1  }
0x101: {  	v31 =	vld [tilespmem:$0x1FE20];
	[tilespmem:v15+s22+$0x0] =	vst.idx.msk $0xffff, v9;
	v9 =	vor.u32 v49, v1  }
0x102: {  	v42 =	vld [tilespmem:$0x1FED0];
	[tilespmem:v4+s22+$0x0] =	vst.idx.msk $0xffff, v10;
	v4 =	vor.u32 v48, v1  }
0x103: {  	v43 =	vld [tilespmem:$0x1FE00];
	[tilespmem:v6+s22+$0x0] =	vst.idx.msk $0xffff, v8;
	v6 =	vor.u32 v51, v1  }
0x104: {  	v34 =	vld [tilespmem:$0x1FE30];
	[tilespmem:v3+s22+$0x0] =	vst.idx.msk $0xffff, v5;
	v3 =	vor.u32 v52, v1  }
0x105: {  	v5 =	vld.idx.msk [tilespmem:v7+s15+$0x0], $0xffff;
	v7 =	vor.u32 v53, v1  }
0x106: {  	v8 =	vld.idx.msk [tilespmem:v9+s15+$0x0], $0xffff;
	v9 =	vor.u32 v55, v1  }
0x107: {  	v10 =	vor.u32 v56, v0;
	v1 =	vor.u32 v54, v1;
	v4 =	vld.idx.msk [tilespmem:v4+s15+$0x0], $0xffff  }
0x108: {  	v11 =	vor.u32 v57, v0;
	v6 =	vld.idx.msk [tilespmem:v6+s15+$0x0], $0xffff  }
0x109: {  	v12 =	vor.u32 v58, v0;
	v3 =	vld.idx.msk [tilespmem:v3+s15+$0x0], $0xffff  }
0x10a: {  	v13 =	vor.u32 v59, v0;
	v7 =	vld.idx.msk [tilespmem:v7+s15+$0x0], $0xffff  }
0x10b: {  	v14 =	vor.u32 v60, v0;
	v9 =	vld.idx.msk [tilespmem:v9+s15+$0x0], $0xffff  }
0x10c: {  	v1 =	vld.idx.msk [tilespmem:v1+s15+$0x0], $0xffff;
	[tilespmem:v10+s22+$0x0] =	vst.idx.msk $0xffff, v4;
	v4 =	vor.u32 v61, v0  }
0x10d: {  	v33 =	vld [tilespmem:$0x1FE40];
	[tilespmem:v11+s22+$0x0] =	vst.idx.msk $0xffff, v8;
	v8 =	vor.u32 v62, v0  }
0x10e: {  	v32 =	vld [tilespmem:$0x1FE50];
	[tilespmem:v12+s22+$0x0] =	vst.idx.msk $0xffff, v5;
	v5 =	vor.u32 v63, v0  }
0x10f: {  	v38 =	vld [tilespmem:$0x1FE80];
	[tilespmem:v13+s22+$0x0] =	vst.idx.msk $0xffff, v6;
	v6 =	vor.u32 v43, v2  }
0x110: {  	v35 =	vld [tilespmem:$0x1FE60];
	v10 =	vor.u32 v29, v2;
	[tilespmem:v14+s22+$0x0] =	vst.idx.msk $0xffff, v3  }
0x111: {  	v37 =	vld [tilespmem:$0x1FEA0];
	v11 =	vor.u32 v28, v2;
	[tilespmem:v4+s22+$0x0] =	vst.idx.msk $0xffff, v7  }
0x112: {  	v39 =	vld [tilespmem:$0x1FE70];
	[tilespmem:v8+s22+$0x0] =	vst.idx.msk $0xffff, v1;
	v1 =	vor.u32 v30, v2  }
0x113: {  	v36 =	vld [tilespmem:$0x1FE90];
	[tilespmem:v5+s22+$0x0] =	vst.idx.msk $0xffff, v9;
	v5 =	vor.u32 v31, v2  }
0x114: {  	v3 =	vld.idx.msk [tilespmem:v6+s15+$0x0], $0xffff;
	v6 =	vor.u32 v34, v2  }
0x115: {  	v15 =	vor.u32 v32, v2;
	v7 =	vld.idx.msk [tilespmem:v10+s15+$0x0], $0xffff  }
0x116: {  	v9 =	vld.idx.msk [tilespmem:v11+s15+$0x0], $0xffff  }
0x117: {  	v4 =	vld.idx.msk [tilespmem:v1+s15+$0x0], $0xffff  }
0x118: {  	v12 =	vor.u32 v39, v0;
	v5 =	vld.idx.msk [tilespmem:v5+s15+$0x0], $0xffff  }
0x119: {  	v13 =	vor.u32 v38, v0;
	v14 =	vor.u32 v33, v2;
	v2 =	vor.u32 v35, v0;
	v8 =	vld.idx.msk [tilespmem:v6+s15+$0x0], $0xffff  }
0x11a: {  	s2 =	simm.s32 $0x1;
	v10 =	vor.u32 v36, v0;
	v11 =	vor.u32 v37, v0;
	v1 =	vor.u32 v40, v0;
	v6 =	vld.idx.msk [tilespmem:v15+s15+$0x0], $0xffff  }
.LBB2_5:
0x11b: {  	_ =	sdelay $0x3  }
0x11c: {  	v14 =	vld.idx.msk [tilespmem:v14+s15+$0x0], $0xffff;
	s3 =	smov.u32 s2;
	[tilespmem:v2+s22+$0x0] =	vst.idx.msk $0xffff, v9  }
0x11d: {  	v9 =	vor.u32 v41, v0;
	v2 =	vadd.s32 s3, v16;
	[tilespmem:v12+s22+$0x0] =	vst.idx.msk $0xffff, v7  }
0x11e: {  	v7 =	vor.u32 v42, v0;
	v12 =	vand.u32 $0xF, v2;
	[tilespmem:v13+s22+$0x0] =	vst.idx.msk $0xffff, v3  }
0x11f: {  	v13 =	vor.u32 v18, v12;
	[tilespmem:v10+s22+$0x0] =	vst.idx.msk $0xffff, v4  }
0x120: {  	v4 =	vor.u32 v20, v12;
	[tilespmem:v11+s22+$0x0] =	vst.idx.msk $0xffff, v5  }
0x121: {  	v3 =	vor.u32 v17, v12;
	[tilespmem:v1+s22+$0x0] =	vst.idx.msk $0xffff, v8  }
0x122: {  	v0 =	vshll.u32 v12, $0x7;
	v10 =	vor.u32 v21, v12;
	[tilespmem:v9+s22+$0x0] =	vst.idx.msk $0xffff, v14  }
0x123: {  	v11 =	vor.u32 v24, v12;
	v9 =	vor.u32 v16, v0;
	v16 =	vld [tilespmem:$0x1FEE0];
	[tilespmem:v7+s22+$0x0] =	vst.idx.msk $0xffff, v6  }
0x124: {  	v5 =	vor.u32 v23, v12;
	v6 =	vld.idx.msk [tilespmem:v13+s15+$0x0], $0xffff  }
0x125: {  	v8 =	vor.u32 v19, v12;
	v4 =	vld.idx.msk [tilespmem:v4+s15+$0x0], $0xffff  }
0x126: {  	v7 =	vor.u32 v22, v12;
	v3 =	vld.idx.msk [tilespmem:v3+s15+$0x0], $0xffff  }
0x127: {  	v10 =	vld.idx.msk [tilespmem:v10+s15+$0x0], $0xffff  }
0x128: {  	v11 =	vld.idx.msk [tilespmem:v11+s15+$0x0], $0xffff  }
0x129: {  	v13 =	vor.u32 v25, v0;
	v5 =	vld.idx.msk [tilespmem:v5+s15+$0x0], $0xffff  }
0x12a: {  	v14 =	vor.u32 v26, v0;
	v8 =	vld.idx.msk [tilespmem:v8+s15+$0x0], $0xffff  }
0x12b: {  	v7 =	vld.idx.msk [tilespmem:v7+s15+$0x0], $0xffff  }
0x12c: {  	[tilespmem:v9+s22+$0x0] =	vst.idx.msk $0xffff, v3;
	v3 =	vld [tilespmem:$0x1FEF0];
	_ =	sdelay $0x1  }
0x12d: {  	[tilespmem:v13+s22+$0x0] =	vst.idx.msk $0xffff, v6;
	v6 =	vld [tilespmem:$0x1FF00]  }
0x12e: {  	v15 =	vor.u32 v27, v0;
	[tilespmem:v14+s22+$0x0] =	vst.idx.msk $0xffff, v8;
	v8 =	vld [tilespmem:$0x1FF10]  }
0x12f: {  	v16 =	vor.u32 v16, v0;
	v9 =	vld [tilespmem:$0x1FF30]  }
0x130: {  	v3 =	vor.u32 v3, v0;
	_ =	sdelay $0x1  }
0x131: {  	v6 =	vor.u32 v6, v0  }
0x132: {  	[tilespmem:v15+s22+$0x0] =	vst.idx.msk $0xffff, v4;
	v4 =	vld [tilespmem:$0x1FF20];
	v8 =	vor.u32 v8, v0  }
0x133: {  	[tilespmem:v16+s22+$0x0] =	vst.idx.msk $0xffff, v10;
	v10 =	vld [tilespmem:$0x1FF90];
	v9 =	vor.u32 v9, v2  }
0x134: {  	[tilespmem:v3+s22+$0x0] =	vst.idx.msk $0xffff, v7;
	v3 =	vld [tilespmem:$0x1FF40]  }
0x135: {  	v7 =	vld [tilespmem:$0x1FF70]  }
0x136: {  	[tilespmem:v6+s22+$0x0] =	vst.idx.msk $0xffff, v5;
	v5 =	vld [tilespmem:$0x1FF50]  }
0x137: {  	v6 =	vld [tilespmem:$0x1FF60];
	[tilespmem:v8+s22+$0x0] =	vst.idx.msk $0xffff, v11  }
0x138: {  	v8 =	vld.idx.msk [tilespmem:v9+s15+$0x0], $0xffff  }
0x139: {  	v4 =	vor.u32 v4, v2;
	v9 =	vld [tilespmem:$0x1FF80]  }
0x13a: {  	v11 =	vld [tilespmem:$0x1FFA0];
	v3 =	vor.u32 v3, v2  }
0x13b: {  	v13 =	vld [tilespmem:$0x1FFB0];
	v10 =	vor.u32 v10, v2  }
0x13c: {  	v14 =	vld [tilespmem:$0x1FFC0];
	v7 =	vor.u32 v7, v2  }
0x13d: {  	v15 =	vld [tilespmem:$0x1FFD0];
	v5 =	vor.u32 v5, v2  }
0x13e: {  	v4 =	vld.idx.msk [tilespmem:v4+s15+$0x0], $0xffff;
	v9 =	vor.u32 v9, v2  }
0x13f: {  	v6 =	vor.u32 v6, v2;
	v11 =	vor.u32 v11, v0;
	v3 =	vld.idx.msk [tilespmem:v3+s15+$0x0], $0xffff  }
0x140: {  	v13 =	vor.u32 v13, v0;
	v10 =	vld.idx.msk [tilespmem:v10+s15+$0x0], $0xffff  }
0x141: {  	v14 =	vor.u32 v14, v0;
	v7 =	vld.idx.msk [tilespmem:v7+s15+$0x0], $0xffff  }
0x142: {  	v15 =	vor.u32 v15, v0;
	v5 =	vld.idx.msk [tilespmem:v5+s15+$0x0], $0xffff  }
0x143: {  	v16 =	vor.u32 v44, v0;
	v9 =	vld.idx.msk [tilespmem:v9+s15+$0x0], $0xffff  }
0x144: {  	v6 =	vld.idx.msk [tilespmem:v6+s15+$0x0], $0xffff;
	[tilespmem:v11+s22+$0x0] =	vst.idx.msk $0xffff, v3;
	v3 =	vor.u32 v45, v0  }
0x145: {  	[tilespmem:v13+s22+$0x0] =	vst.idx.msk $0xffff, v8;
	v8 =	vor.u32 v46, v0  }
0x146: {  	[tilespmem:v14+s22+$0x0] =	vst.idx.msk $0xffff, v4;
	v4 =	vor.u32 v47, v0  }
0x147: {  	[tilespmem:v15+s22+$0x0] =	vst.idx.msk $0xffff, v5;
	v5 =	vor.u32 v50, v12  }
0x148: {  	[tilespmem:v16+s22+$0x0] =	vst.idx.msk $0xffff, v9;
	v9 =	vor.u32 v49, v12  }
0x149: {  	[tilespmem:v3+s22+$0x0] =	vst.idx.msk $0xffff, v10;
	v3 =	vor.u32 v48, v12  }
0x14a: {  	v10 =	vor.u32 v54, v12;
	[tilespmem:v8+s22+$0x0] =	vst.idx.msk $0xffff, v7  }
0x14b: {  	v7 =	vor.u32 v51, v12;
	[tilespmem:v4+s22+$0x0] =	vst.idx.msk $0xffff, v6  }
0x14c: {  	v4 =	vor.u32 v52, v12;
	v5 =	vld.idx.msk [tilespmem:v5+s15+$0x0], $0xffff  }
0x14d: {  	v6 =	vor.u32 v53, v12;
	v8 =	vld.idx.msk [tilespmem:v9+s15+$0x0], $0xffff  }
0x14e: {  	v11 =	vor.u32 v56, v0;
	v9 =	vor.u32 v55, v12;
	v3 =	vld.idx.msk [tilespmem:v3+s15+$0x0], $0xffff  }
0x14f: {  	v12 =	vor.u32 v57, v0;
	v10 =	vld.idx.msk [tilespmem:v10+s15+$0x0], $0xffff  }
0x150: {  	v13 =	vor.u32 v58, v0;
	v7 =	vld.idx.msk [tilespmem:v7+s15+$0x0], $0xffff  }
0x151: {  	v14 =	vor.u32 v59, v0;
	v4 =	vld.idx.msk [tilespmem:v4+s15+$0x0], $0xffff  }
0x152: {  	v15 =	vor.u32 v60, v0;
	v6 =	vld.idx.msk [tilespmem:v6+s15+$0x0], $0xffff  }
0x153: {  	v9 =	vld.idx.msk [tilespmem:v9+s15+$0x0], $0xffff;
	[tilespmem:v11+s22+$0x0] =	vst.idx.msk $0xffff, v3;
	v3 =	vor.u32 v61, v0  }
0x154: {  	[tilespmem:v12+s22+$0x0] =	vst.idx.msk $0xffff, v8;
	v8 =	vor.u32 v62, v0  }
0x155: {  	[tilespmem:v13+s22+$0x0] =	vst.idx.msk $0xffff, v5;
	v5 =	vor.u32 v63, v0  }
0x156: {  	[tilespmem:v14+s22+$0x0] =	vst.idx.msk $0xffff, v7;
	v7 =	vor.u32 v43, v2  }
0x157: {  	v11 =	vor.u32 v29, v2;
	[tilespmem:v15+s22+$0x0] =	vst.idx.msk $0xffff, v4  }
0x158: {  	v4 =	vor.u32 v28, v2;
	[tilespmem:v3+s22+$0x0] =	vst.idx.msk $0xffff, v6  }
0x159: {  	v6 =	vor.u32 v30, v2;
	[tilespmem:v8+s22+$0x0] =	vst.idx.msk $0xffff, v10  }
0x15a: {  	v8 =	vor.u32 v34, v2;
	[tilespmem:v5+s22+$0x0] =	vst.idx.msk $0xffff, v9  }
0x15b: {  	v5 =	vor.u32 v31, v2;
	v3 =	vld.idx.msk [tilespmem:v7+s15+$0x0], $0xffff  }
0x15c: {  	p1 =	sne.s32 s2, $0xF;
	v7 =	vld.idx.msk [tilespmem:v11+s15+$0x0], $0xffff;
	v11 =	vor.u32 v32, v2  }
.Ltmp1:
0x15d: {  	v9 =	vld.idx.msk [tilespmem:v4+s15+$0x0], $0xffff;
	(pc) =	sbr.rel @p1 .LBB2_5-.Ltmp1, $4  }
0x15e: {  	v4 =	vld.idx.msk [tilespmem:v6+s15+$0x0], $0xffff  }
0x15f: {  	v1 =	vor.u32 v40, v0;
	v16 =	vlaneseq.u32;
	v8 =	vld.idx.msk [tilespmem:v8+s15+$0x0], $0xffff  }
0x160: {  	v12 =	vor.u32 v39, v0;
	v13 =	vor.u32 v38, v0;
	v14 =	vor.u32 v33, v2;
	v5 =	vld.idx.msk [tilespmem:v5+s15+$0x0], $0xffff  }
0x161: {  	s2 =	sadd.s32 $0x1, s2;
	v10 =	vor.u32 v36, v0;
	v2 =	vor.u32 v35, v0;
	v6 =	vld.idx.msk [tilespmem:v11+s15+$0x0], $0xffff;
	v11 =	vor.u32 v37, v0  }
0x162: {  	_ =	sdelay $0x3  }
0x163: {  	v14 =	vld.idx.msk [tilespmem:v14+s15+$0x0], $0xffff;
	[tilespmem:v2+s22+$0x0] =	vst.idx.msk $0xffff, v9  }
0x164: {  	v2 =	vor.u32 v41, v0;
	[tilespmem:v12+s22+$0x0] =	vst.idx.msk $0xffff, v7  }
0x165: {  	v0 =	vor.u32 v42, v0;
	[tilespmem:v13+s22+$0x0] =	vst.idx.msk $0xffff, v3  }
0x166: {  	[tilespmem:v10+s22+$0x0] =	vst.idx.msk $0xffff, v4  }
0x167: {  	[tilespmem:v11+s22+$0x0] =	vst.idx.msk $0xffff, v5  }
0x168: {  	[tilespmem:v1+s22+$0x0] =	vst.idx.msk $0xffff, v8  }
0x169: {  	[tilespmem:v2+s22+$0x0] =	vst.idx.msk $0xffff, v14  }
0x16a: {  	s2 =	sadd.s32 s31, s7;
	s16 =	simm.s32 $0x0;
	[tilespmem:v0+s22+$0x0] =	vst.idx.msk $0xffff, v6  }
0x16b: {  	[hbm4b:s2+s10] =	stream.strided.scatter [tilespmem:s22], [sflag:$0x6], $0x2000, s11, s10, $0x38;
	[tilespmem:$0x1A400] =	vst v63  }
0x16c: {  	v2 =	vadd.s32 s16, v16;
	_ =	swait.ge [sflag:s23], $0x4000  }
0x16d: {  	s3 =	simm.s32 @!p0 $0x80;
	v1 =	vand.u32 $0xF, v2;
	[sflag:s23] =	ssyncset.done $0x0  }
0x16e: {  	s16 =	simm.s32 @!p0 $0xA400;
	s2 =	sadd.s32 @!p0 $0x280, s0;
	v0 =	vor.u32 v18, v1;
	[sflag:s23] =	ssyncadd.s32 $0xFFFFC000  }
0x16f: {  	v3 =	vor.u32 v20, v1;
	[tilespmem:s16], [sflag:$0x2] =	stream.indirect.gather @!p0 [hbm4b:s5+s3], $0x80, s2, s3, $0xb8;
	[tilespmem:$0x1A400] =	vst v63  }
0x170: {  	v4 =	vor.u32 v17, v1;
	_ =	swait.ge [sflag:s24], $0x2000  }
0x171: {  	v5 =	vor.u32 v19, v1;
	[sflag:s24] =	ssyncset.done $0x0  }
0x172: {  	v6 =	vor.u32 v21, v1;
	v15 =	vld [tilespmem:$0x1FEE0];
	[sflag:s24] =	ssyncadd.s32 $0xFFFFE000  }
0x173: {  	v8 =	vor.u32 v22, v1;
	v7 =	vld.idx.msk [tilespmem:v0+s17+$0x0], $0xffff  }
0x174: {  	v9 =	vor.u32 v24, v1;
	v3 =	vld.idx.msk [tilespmem:v3+s17+$0x0], $0xffff  }
0x175: {  	v10 =	vor.u32 v23, v1;
	v0 =	vshll.u32 v1, $0x7;
	v4 =	vld.idx.msk [tilespmem:v4+s17+$0x0], $0xffff  }
0x176: {  	v5 =	vld.idx.msk [tilespmem:v5+s17+$0x0], $0xffff;
	v11 =	vor.u32 v16, v0  }
0x177: {  	v6 =	vld.idx.msk [tilespmem:v6+s17+$0x0], $0xffff  }
0x178: {  	v8 =	vld.idx.msk [tilespmem:v8+s17+$0x0], $0xffff;
	v12 =	vor.u32 v25, v0  }
0x179: {  	v9 =	vld.idx.msk [tilespmem:v9+s17+$0x0], $0xffff  }
0x17a: {  	v10 =	vld.idx.msk [tilespmem:v10+s17+$0x0], $0xffff;
	v13 =	vor.u32 v26, v0  }
0x17b: {  	[tilespmem:v11+s20+$0x0] =	vst.idx.msk $0xffff, v4;
	v4 =	vld [tilespmem:$0x1FEF0];
	_ =	sdelay $0x1  }
0x17c: {  	[tilespmem:v12+s20+$0x0] =	vst.idx.msk $0xffff, v7;
	v7 =	vld [tilespmem:$0x1FF00]  }
0x17d: {  	v14 =	vor.u32 v27, v0  }
0x17e: {  	v15 =	vor.u32 v15, v0;
	[tilespmem:v13+s20+$0x0] =	vst.idx.msk $0xffff, v5;
	v5 =	vld [tilespmem:$0x1FF10]  }
0x17f: {  	v4 =	vor.u32 v4, v0  }
0x180: {  	v11 =	vld [tilespmem:$0x1FFA0]  }
0x181: {  	v12 =	vld [tilespmem:$0x1FFB0];
	v7 =	vor.u32 v7, v0  }
0x182: {  	[tilespmem:v14+s20+$0x0] =	vst.idx.msk $0xffff, v3;
	v3 =	vld [tilespmem:$0x1FF20]  }
0x183: {  	[tilespmem:v15+s20+$0x0] =	vst.idx.msk $0xffff, v6;
	v6 =	vld [tilespmem:$0x1FF30];
	v5 =	vor.u32 v5, v0  }
0x184: {  	[tilespmem:v4+s20+$0x0] =	vst.idx.msk $0xffff, v8;
	v4 =	vld [tilespmem:$0x1FF40]  }
0x185: {  	v8 =	vld [tilespmem:$0x1FF70]  }
0x186: {  	[tilespmem:v7+s20+$0x0] =	vst.idx.msk $0xffff, v10;
	v7 =	vld [tilespmem:$0x1FF50]  }
0x187: {  	v3 =	vor.u32 v3, v2;
	v10 =	vld [tilespmem:$0x1FF90]  }
0x188: {  	v6 =	vor.u32 v6, v2;
	[tilespmem:v5+s20+$0x0] =	vst.idx.msk $0xffff, v9;
	v9 =	vld [tilespmem:$0x1FF80]  }
0x189: {  	v5 =	vld [tilespmem:$0x1FF60];
	v4 =	vor.u32 v4, v2  }
0x18a: {  	v13 =	vld [tilespmem:$0x1FFC0];
	v8 =	vor.u32 v8, v2  }
0x18b: {  	v14 =	vld [tilespmem:$0x1FFD0];
	v7 =	vor.u32 v7, v2  }
0x18c: {  	v3 =	vld.idx.msk [tilespmem:v3+s17+$0x0], $0xffff;
	v10 =	vor.u32 v10, v2  }
0x18d: {  	v6 =	vld.idx.msk [tilespmem:v6+s17+$0x0], $0xffff;
	v9 =	vor.u32 v9, v2  }
0x18e: {  	v11 =	vor.u32 v11, v0;
	v5 =	vor.u32 v5, v2;
	v4 =	vld.idx.msk [tilespmem:v4+s17+$0x0], $0xffff  }
0x18f: {  	v12 =	vor.u32 v12, v0;
	v8 =	vld.idx.msk [tilespmem:v8+s17+$0x0], $0xffff  }
0x190: {  	v13 =	vor.u32 v13, v0;
	v7 =	vld.idx.msk [tilespmem:v7+s17+$0x0], $0xffff  }
0x191: {  	v14 =	vor.u32 v14, v0;
	v10 =	vld.idx.msk [tilespmem:v10+s17+$0x0], $0xffff  }
0x192: {  	v15 =	vor.u32 v44, v0;
	v9 =	vld.idx.msk [tilespmem:v9+s17+$0x0], $0xffff  }
0x193: {  	v5 =	vld.idx.msk [tilespmem:v5+s17+$0x0], $0xffff;
	[tilespmem:v11+s20+$0x0] =	vst.idx.msk $0xffff, v4;
	v4 =	vor.u32 v45, v0  }
0x194: {  	[tilespmem:v12+s20+$0x0] =	vst.idx.msk $0xffff, v6;
	v6 =	vor.u32 v46, v0  }
0x195: {  	[tilespmem:v13+s20+$0x0] =	vst.idx.msk $0xffff, v3;
	v3 =	vor.u32 v47, v0  }
0x196: {  	[tilespmem:v14+s20+$0x0] =	vst.idx.msk $0xffff, v7;
	v7 =	vor.u32 v50, v1  }
0x197: {  	[tilespmem:v15+s20+$0x0] =	vst.idx.msk $0xffff, v9;
	v9 =	vor.u32 v49, v1  }
0x198: {  	[tilespmem:v4+s20+$0x0] =	vst.idx.msk $0xffff, v10;
	v4 =	vor.u32 v48, v1  }
0x199: {  	[tilespmem:v6+s20+$0x0] =	vst.idx.msk $0xffff, v8;
	v6 =	vor.u32 v51, v1  }
0x19a: {  	[tilespmem:v3+s20+$0x0] =	vst.idx.msk $0xffff, v5;
	v3 =	vor.u32 v52, v1  }
0x19b: {  	v5 =	vld.idx.msk [tilespmem:v7+s17+$0x0], $0xffff;
	v7 =	vor.u32 v53, v1  }
0x19c: {  	v8 =	vld.idx.msk [tilespmem:v9+s17+$0x0], $0xffff;
	v9 =	vor.u32 v55, v1  }
0x19d: {  	v10 =	vor.u32 v56, v0;
	v1 =	vor.u32 v54, v1;
	v4 =	vld.idx.msk [tilespmem:v4+s17+$0x0], $0xffff  }
0x19e: {  	v11 =	vor.u32 v57, v0;
	v6 =	vld.idx.msk [tilespmem:v6+s17+$0x0], $0xffff  }
0x19f: {  	v12 =	vor.u32 v58, v0;
	v3 =	vld.idx.msk [tilespmem:v3+s17+$0x0], $0xffff  }
0x1a0: {  	v13 =	vor.u32 v59, v0;
	v7 =	vld.idx.msk [tilespmem:v7+s17+$0x0], $0xffff  }
0x1a1: {  	v14 =	vor.u32 v60, v0;
	v9 =	vld.idx.msk [tilespmem:v9+s17+$0x0], $0xffff  }
0x1a2: {  	v1 =	vld.idx.msk [tilespmem:v1+s17+$0x0], $0xffff;
	[tilespmem:v10+s20+$0x0] =	vst.idx.msk $0xffff, v4;
	v4 =	vor.u32 v61, v0  }
0x1a3: {  	[tilespmem:v11+s20+$0x0] =	vst.idx.msk $0xffff, v8;
	v8 =	vor.u32 v62, v0  }
0x1a4: {  	[tilespmem:v12+s20+$0x0] =	vst.idx.msk $0xffff, v5;
	v5 =	vor.u32 v63, v0  }
0x1a5: {  	[tilespmem:v13+s20+$0x0] =	vst.idx.msk $0xffff, v6;
	v6 =	vor.u32 v43, v2  }
0x1a6: {  	v10 =	vor.u32 v29, v2;
	[tilespmem:v14+s20+$0x0] =	vst.idx.msk $0xffff, v3  }
0x1a7: {  	v11 =	vor.u32 v28, v2;
	[tilespmem:v4+s20+$0x0] =	vst.idx.msk $0xffff, v7  }
0x1a8: {  	[tilespmem:v8+s20+$0x0] =	vst.idx.msk $0xffff, v1;
	v1 =	vor.u32 v30, v2  }
0x1a9: {  	[tilespmem:v5+s20+$0x0] =	vst.idx.msk $0xffff, v9;
	v5 =	vor.u32 v31, v2  }
0x1aa: {  	v3 =	vld.idx.msk [tilespmem:v6+s17+$0x0], $0xffff;
	v6 =	vor.u32 v34, v2  }
0x1ab: {  	v15 =	vor.u32 v32, v2;
	v7 =	vld.idx.msk [tilespmem:v10+s17+$0x0], $0xffff  }
0x1ac: {  	v9 =	vld.idx.msk [tilespmem:v11+s17+$0x0], $0xffff  }
0x1ad: {  	v4 =	vld.idx.msk [tilespmem:v1+s17+$0x0], $0xffff  }
0x1ae: {  	v12 =	vor.u32 v39, v0;
	v5 =	vld.idx.msk [tilespmem:v5+s17+$0x0], $0xffff  }
0x1af: {  	v13 =	vor.u32 v38, v0;
	v14 =	vor.u32 v33, v2;
	v2 =	vor.u32 v35, v0;
	v8 =	vld.idx.msk [tilespmem:v6+s17+$0x0], $0xffff  }
0x1b0: {  	s2 =	simm.s32 $0x1;
	v10 =	vor.u32 v36, v0;
	v11 =	vor.u32 v37, v0;
	v1 =	vor.u32 v40, v0;
	v6 =	vld.idx.msk [tilespmem:v15+s17+$0x0], $0xffff  }
.LBB2_7:
0x1b1: {  	_ =	sdelay $0x3  }
0x1b2: {  	v14 =	vld.idx.msk [tilespmem:v14+s17+$0x0], $0xffff;
	s3 =	smov.u32 s2;
	[tilespmem:v2+s20+$0x0] =	vst.idx.msk $0xffff, v9  }
0x1b3: {  	v9 =	vor.u32 v41, v0;
	v2 =	vadd.s32 s3, v16;
	[tilespmem:v12+s20+$0x0] =	vst.idx.msk $0xffff, v7  }
0x1b4: {  	v7 =	vor.u32 v42, v0;
	v12 =	vand.u32 $0xF, v2;
	[tilespmem:v13+s20+$0x0] =	vst.idx.msk $0xffff, v3  }
0x1b5: {  	v13 =	vor.u32 v18, v12;
	[tilespmem:v10+s20+$0x0] =	vst.idx.msk $0xffff, v4  }
0x1b6: {  	v4 =	vor.u32 v20, v12;
	[tilespmem:v11+s20+$0x0] =	vst.idx.msk $0xffff, v5  }
0x1b7: {  	v3 =	vor.u32 v17, v12;
	[tilespmem:v1+s20+$0x0] =	vst.idx.msk $0xffff, v8  }
0x1b8: {  	v0 =	vshll.u32 v12, $0x7;
	v10 =	vor.u32 v21, v12;
	[tilespmem:v9+s20+$0x0] =	vst.idx.msk $0xffff, v14  }
0x1b9: {  	v11 =	vor.u32 v24, v12;
	v9 =	vor.u32 v16, v0;
	v16 =	vld [tilespmem:$0x1FEE0];
	[tilespmem:v7+s20+$0x0] =	vst.idx.msk $0xffff, v6  }
0x1ba: {  	v5 =	vor.u32 v23, v12;
	v6 =	vld.idx.msk [tilespmem:v13+s17+$0x0], $0xffff  }
0x1bb: {  	v8 =	vor.u32 v19, v12;
	v4 =	vld.idx.msk [tilespmem:v4+s17+$0x0], $0xffff  }
0x1bc: {  	v7 =	vor.u32 v22, v12;
	v3 =	vld.idx.msk [tilespmem:v3+s17+$0x0], $0xffff  }
0x1bd: {  	v10 =	vld.idx.msk [tilespmem:v10+s17+$0x0], $0xffff  }
0x1be: {  	v11 =	vld.idx.msk [tilespmem:v11+s17+$0x0], $0xffff  }
0x1bf: {  	v13 =	vor.u32 v25, v0;
	v5 =	vld.idx.msk [tilespmem:v5+s17+$0x0], $0xffff  }
0x1c0: {  	v14 =	vor.u32 v26, v0;
	v8 =	vld.idx.msk [tilespmem:v8+s17+$0x0], $0xffff  }
0x1c1: {  	v7 =	vld.idx.msk [tilespmem:v7+s17+$0x0], $0xffff  }
0x1c2: {  	[tilespmem:v9+s20+$0x0] =	vst.idx.msk $0xffff, v3;
	v3 =	vld [tilespmem:$0x1FEF0];
	_ =	sdelay $0x1  }
0x1c3: {  	[tilespmem:v13+s20+$0x0] =	vst.idx.msk $0xffff, v6;
	v6 =	vld [tilespmem:$0x1FF00]  }
0x1c4: {  	v15 =	vor.u32 v27, v0;
	[tilespmem:v14+s20+$0x0] =	vst.idx.msk $0xffff, v8;
	v8 =	vld [tilespmem:$0x1FF10]  }
0x1c5: {  	v16 =	vor.u32 v16, v0;
	v9 =	vld [tilespmem:$0x1FF30]  }
0x1c6: {  	v3 =	vor.u32 v3, v0;
	_ =	sdelay $0x1  }
0x1c7: {  	v6 =	vor.u32 v6, v0  }
0x1c8: {  	[tilespmem:v15+s20+$0x0] =	vst.idx.msk $0xffff, v4;
	v4 =	vld [tilespmem:$0x1FF20];
	v8 =	vor.u32 v8, v0  }
0x1c9: {  	[tilespmem:v16+s20+$0x0] =	vst.idx.msk $0xffff, v10;
	v10 =	vld [tilespmem:$0x1FF90];
	v9 =	vor.u32 v9, v2  }
0x1ca: {  	[tilespmem:v3+s20+$0x0] =	vst.idx.msk $0xffff, v7;
	v3 =	vld [tilespmem:$0x1FF40]  }
0x1cb: {  	v7 =	vld [tilespmem:$0x1FF70]  }
0x1cc: {  	[tilespmem:v6+s20+$0x0] =	vst.idx.msk $0xffff, v5;
	v5 =	vld [tilespmem:$0x1FF50]  }
0x1cd: {  	v6 =	vld [tilespmem:$0x1FF60];
	[tilespmem:v8+s20+$0x0] =	vst.idx.msk $0xffff, v11  }
0x1ce: {  	v8 =	vld.idx.msk [tilespmem:v9+s17+$0x0], $0xffff  }
0x1cf: {  	v4 =	vor.u32 v4, v2;
	v9 =	vld [tilespmem:$0x1FF80]  }
0x1d0: {  	v11 =	vld [tilespmem:$0x1FFA0];
	v3 =	vor.u32 v3, v2  }
0x1d1: {  	v13 =	vld [tilespmem:$0x1FFB0];
	v10 =	vor.u32 v10, v2  }
0x1d2: {  	v14 =	vld [tilespmem:$0x1FFC0];
	v7 =	vor.u32 v7, v2  }
0x1d3: {  	v15 =	vld [tilespmem:$0x1FFD0];
	v5 =	vor.u32 v5, v2  }
0x1d4: {  	v4 =	vld.idx.msk [tilespmem:v4+s17+$0x0], $0xffff;
	v9 =	vor.u32 v9, v2  }
0x1d5: {  	v6 =	vor.u32 v6, v2;
	v11 =	vor.u32 v11, v0;
	v3 =	vld.idx.msk [tilespmem:v3+s17+$0x0], $0xffff  }
0x1d6: {  	v13 =	vor.u32 v13, v0;
	v10 =	vld.idx.msk [tilespmem:v10+s17+$0x0], $0xffff  }
0x1d7: {  	v14 =	vor.u32 v14, v0;
	v7 =	vld.idx.msk [tilespmem:v7+s17+$0x0], $0xffff  }
0x1d8: {  	v15 =	vor.u32 v15, v0;
	v5 =	vld.idx.msk [tilespmem:v5+s17+$0x0], $0xffff  }
0x1d9: {  	v16 =	vor.u32 v44, v0;
	v9 =	vld.idx.msk [tilespmem:v9+s17+$0x0], $0xffff  }
0x1da: {  	v6 =	vld.idx.msk [tilespmem:v6+s17+$0x0], $0xffff;
	[tilespmem:v11+s20+$0x0] =	vst.idx.msk $0xffff, v3;
	v3 =	vor.u32 v45, v0  }
0x1db: {  	[tilespmem:v13+s20+$0x0] =	vst.idx.msk $0xffff, v8;
	v8 =	vor.u32 v46, v0  }
0x1dc: {  	[tilespmem:v14+s20+$0x0] =	vst.idx.msk $0xffff, v4;
	v4 =	vor.u32 v47, v0  }
0x1dd: {  	[tilespmem:v15+s20+$0x0] =	vst.idx.msk $0xffff, v5;
	v5 =	vor.u32 v50, v12  }
0x1de: {  	[tilespmem:v16+s20+$0x0] =	vst.idx.msk $0xffff, v9;
	v9 =	vor.u32 v49, v12  }
0x1df: {  	[tilespmem:v3+s20+$0x0] =	vst.idx.msk $0xffff, v10;
	v3 =	vor.u32 v48, v12  }
0x1e0: {  	v10 =	vor.u32 v54, v12;
	[tilespmem:v8+s20+$0x0] =	vst.idx.msk $0xffff, v7  }
0x1e1: {  	v7 =	vor.u32 v51, v12;
	[tilespmem:v4+s20+$0x0] =	vst.idx.msk $0xffff, v6  }
0x1e2: {  	v4 =	vor.u32 v52, v12;
	v5 =	vld.idx.msk [tilespmem:v5+s17+$0x0], $0xffff  }
0x1e3: {  	v6 =	vor.u32 v53, v12;
	v8 =	vld.idx.msk [tilespmem:v9+s17+$0x0], $0xffff  }
0x1e4: {  	v11 =	vor.u32 v56, v0;
	v9 =	vor.u32 v55, v12;
	v3 =	vld.idx.msk [tilespmem:v3+s17+$0x0], $0xffff  }
0x1e5: {  	v12 =	vor.u32 v57, v0;
	v10 =	vld.idx.msk [tilespmem:v10+s17+$0x0], $0xffff  }
0x1e6: {  	v13 =	vor.u32 v58, v0;
	v7 =	vld.idx.msk [tilespmem:v7+s17+$0x0], $0xffff  }
0x1e7: {  	v14 =	vor.u32 v59, v0;
	v4 =	vld.idx.msk [tilespmem:v4+s17+$0x0], $0xffff  }
0x1e8: {  	v15 =	vor.u32 v60, v0;
	v6 =	vld.idx.msk [tilespmem:v6+s17+$0x0], $0xffff  }
0x1e9: {  	v9 =	vld.idx.msk [tilespmem:v9+s17+$0x0], $0xffff;
	[tilespmem:v11+s20+$0x0] =	vst.idx.msk $0xffff, v3;
	v3 =	vor.u32 v61, v0  }
0x1ea: {  	[tilespmem:v12+s20+$0x0] =	vst.idx.msk $0xffff, v8;
	v8 =	vor.u32 v62, v0  }
0x1eb: {  	[tilespmem:v13+s20+$0x0] =	vst.idx.msk $0xffff, v5;
	v5 =	vor.u32 v63, v0  }
0x1ec: {  	[tilespmem:v14+s20+$0x0] =	vst.idx.msk $0xffff, v7;
	v7 =	vor.u32 v43, v2  }
0x1ed: {  	v11 =	vor.u32 v29, v2;
	[tilespmem:v15+s20+$0x0] =	vst.idx.msk $0xffff, v4  }
0x1ee: {  	v4 =	vor.u32 v28, v2;
	[tilespmem:v3+s20+$0x0] =	vst.idx.msk $0xffff, v6  }
0x1ef: {  	v6 =	vor.u32 v30, v2;
	[tilespmem:v8+s20+$0x0] =	vst.idx.msk $0xffff, v10  }
0x1f0: {  	v8 =	vor.u32 v34, v2;
	[tilespmem:v5+s20+$0x0] =	vst.idx.msk $0xffff, v9  }
0x1f1: {  	v5 =	vor.u32 v31, v2;
	v3 =	vld.idx.msk [tilespmem:v7+s17+$0x0], $0xffff  }
0x1f2: {  	p1 =	sne.s32 s2, $0xF;
	v7 =	vld.idx.msk [tilespmem:v11+s17+$0x0], $0xffff;
	v11 =	vor.u32 v32, v2  }
.Ltmp2:
0x1f3: {  	v9 =	vld.idx.msk [tilespmem:v4+s17+$0x0], $0xffff;
	(pc) =	sbr.rel @p1 .LBB2_7-.Ltmp2, $4  }
0x1f4: {  	v4 =	vld.idx.msk [tilespmem:v6+s17+$0x0], $0xffff  }
0x1f5: {  	v1 =	vor.u32 v40, v0;
	v16 =	vlaneseq.u32;
	v8 =	vld.idx.msk [tilespmem:v8+s17+$0x0], $0xffff  }
0x1f6: {  	v12 =	vor.u32 v39, v0;
	v13 =	vor.u32 v38, v0;
	v14 =	vor.u32 v33, v2;
	v5 =	vld.idx.msk [tilespmem:v5+s17+$0x0], $0xffff  }
0x1f7: {  	s2 =	sadd.s32 $0x1, s2;
	v10 =	vor.u32 v36, v0;
	v2 =	vor.u32 v35, v0;
	v6 =	vld.idx.msk [tilespmem:v11+s17+$0x0], $0xffff;
	v11 =	vor.u32 v37, v0  }
0x1f8: {  	_ =	sdelay $0x3  }
0x1f9: {  	v14 =	vld.idx.msk [tilespmem:v14+s17+$0x0], $0xffff;
	[tilespmem:v2+s20+$0x0] =	vst.idx.msk $0xffff, v9  }
0x1fa: {  	v2 =	vor.u32 v41, v0;
	[tilespmem:v12+s20+$0x0] =	vst.idx.msk $0xffff, v7  }
0x1fb: {  	v0 =	vor.u32 v42, v0;
	[tilespmem:v13+s20+$0x0] =	vst.idx.msk $0xffff, v3  }
0x1fc: {  	[tilespmem:v10+s20+$0x0] =	vst.idx.msk $0xffff, v4  }
0x1fd: {  	[tilespmem:v11+s20+$0x0] =	vst.idx.msk $0xffff, v5  }
0x1fe: {  	[tilespmem:v1+s20+$0x0] =	vst.idx.msk $0xffff, v8  }
0x1ff: {  	[tilespmem:v2+s20+$0x0] =	vst.idx.msk $0xffff, v14  }
0x200: {  	s2 =	sadd.s32 s31, s8;
	s31 =	simm.s32 $0x0;
	[tilespmem:v0+s20+$0x0] =	vst.idx.msk $0xffff, v6  }
0x201: {  	[hbm4b:s2+s10] =	stream.strided.scatter [tilespmem:s20], [sflag:$0x5], $0x2000, s11, s10, $0x38;
	[tilespmem:$0x1A400] =	vst v63  }
0x202: {  	v2 =	vadd.s32 s31, v16;
	_ =	swait.ge [sflag:s25], $0x4000  }
0x203: {  	s0 =	sadd.s32 @!p0 $0x300, s0;
	v1 =	vand.u32 $0xF, v2;
	[sflag:s25] =	ssyncset.done $0x0  }
0x204: {  	s3 =	simm.s32 @!p0 $0xE400;
	s2 =	simm.s32 @!p0 $0x80;
	v0 =	vor.u32 v18, v1;
	[sflag:s25] =	ssyncadd.s32 $0xFFFFC000  }
0x205: {  	v3 =	vor.u32 v20, v1;
	[tilespmem:s3], [sflag:$0x3] =	stream.indirect.gather @!p0 [hbm4b:s5+s2], $0x80, s0, s2, $0xb8;
	[tilespmem:$0x1A400] =	vst v63  }
0x206: {  	v4 =	vor.u32 v17, v1;
	_ =	swait.ge [sflag:s26], $0x2000  }
0x207: {  	v5 =	vor.u32 v19, v1;
	[sflag:s26] =	ssyncset.done $0x0  }
0x208: {  	v6 =	vor.u32 v21, v1;
	v15 =	vld [tilespmem:$0x1FEE0];
	[sflag:s26] =	ssyncadd.s32 $0xFFFFE000  }
0x209: {  	v8 =	vor.u32 v22, v1;
	v7 =	vld.idx.msk [tilespmem:v0+s19+$0x0], $0xffff  }
0x20a: {  	v9 =	vor.u32 v24, v1;
	v3 =	vld.idx.msk [tilespmem:v3+s19+$0x0], $0xffff  }
0x20b: {  	v10 =	vor.u32 v23, v1;
	v0 =	vshll.u32 v1, $0x7;
	v4 =	vld.idx.msk [tilespmem:v4+s19+$0x0], $0xffff  }
0x20c: {  	v5 =	vld.idx.msk [tilespmem:v5+s19+$0x0], $0xffff;
	v11 =	vor.u32 v16, v0  }
0x20d: {  	v6 =	vld.idx.msk [tilespmem:v6+s19+$0x0], $0xffff  }
0x20e: {  	v8 =	vld.idx.msk [tilespmem:v8+s19+$0x0], $0xffff;
	v12 =	vor.u32 v25, v0  }
0x20f: {  	v9 =	vld.idx.msk [tilespmem:v9+s19+$0x0], $0xffff  }
0x210: {  	v10 =	vld.idx.msk [tilespmem:v10+s19+$0x0], $0xffff;
	v13 =	vor.u32 v26, v0  }
0x211: {  	[tilespmem:v11+s22+$0x0] =	vst.idx.msk $0xffff, v4;
	v4 =	vld [tilespmem:$0x1FEF0];
	_ =	sdelay $0x1  }
0x212: {  	[tilespmem:v12+s22+$0x0] =	vst.idx.msk $0xffff, v7;
	v7 =	vld [tilespmem:$0x1FF00]  }
0x213: {  	v14 =	vor.u32 v27, v0  }
0x214: {  	v15 =	vor.u32 v15, v0;
	[tilespmem:v13+s22+$0x0] =	vst.idx.msk $0xffff, v5;
	v5 =	vld [tilespmem:$0x1FF10]  }
0x215: {  	v4 =	vor.u32 v4, v0  }
0x216: {  	v11 =	vld [tilespmem:$0x1FFA0]  }
0x217: {  	v12 =	vld [tilespmem:$0x1FFB0];
	v7 =	vor.u32 v7, v0  }
0x218: {  	[tilespmem:v14+s22+$0x0] =	vst.idx.msk $0xffff, v3;
	v3 =	vld [tilespmem:$0x1FF20]  }
0x219: {  	[tilespmem:v15+s22+$0x0] =	vst.idx.msk $0xffff, v6;
	v6 =	vld [tilespmem:$0x1FF30];
	v5 =	vor.u32 v5, v0  }
0x21a: {  	[tilespmem:v4+s22+$0x0] =	vst.idx.msk $0xffff, v8;
	v4 =	vld [tilespmem:$0x1FF40]  }
0x21b: {  	v8 =	vld [tilespmem:$0x1FF70]  }
0x21c: {  	[tilespmem:v7+s22+$0x0] =	vst.idx.msk $0xffff, v10;
	v7 =	vld [tilespmem:$0x1FF50]  }
0x21d: {  	v3 =	vor.u32 v3, v2;
	v10 =	vld [tilespmem:$0x1FF90]  }
0x21e: {  	v6 =	vor.u32 v6, v2;
	[tilespmem:v5+s22+$0x0] =	vst.idx.msk $0xffff, v9;
	v9 =	vld [tilespmem:$0x1FF80]  }
0x21f: {  	v5 =	vld [tilespmem:$0x1FF60];
	v4 =	vor.u32 v4, v2  }
0x220: {  	v13 =	vld [tilespmem:$0x1FFC0];
	v8 =	vor.u32 v8, v2  }
0x221: {  	v14 =	vld [tilespmem:$0x1FFD0];
	v7 =	vor.u32 v7, v2  }
0x222: {  	v3 =	vld.idx.msk [tilespmem:v3+s19+$0x0], $0xffff;
	v10 =	vor.u32 v10, v2  }
0x223: {  	v6 =	vld.idx.msk [tilespmem:v6+s19+$0x0], $0xffff;
	v9 =	vor.u32 v9, v2  }
0x224: {  	v11 =	vor.u32 v11, v0;
	v5 =	vor.u32 v5, v2;
	v4 =	vld.idx.msk [tilespmem:v4+s19+$0x0], $0xffff  }
0x225: {  	v12 =	vor.u32 v12, v0;
	v8 =	vld.idx.msk [tilespmem:v8+s19+$0x0], $0xffff  }
0x226: {  	v13 =	vor.u32 v13, v0;
	v7 =	vld.idx.msk [tilespmem:v7+s19+$0x0], $0xffff  }
0x227: {  	v14 =	vor.u32 v14, v0;
	v10 =	vld.idx.msk [tilespmem:v10+s19+$0x0], $0xffff  }
0x228: {  	v15 =	vor.u32 v44, v0;
	v9 =	vld.idx.msk [tilespmem:v9+s19+$0x0], $0xffff  }
0x229: {  	v5 =	vld.idx.msk [tilespmem:v5+s19+$0x0], $0xffff;
	[tilespmem:v11+s22+$0x0] =	vst.idx.msk $0xffff, v4;
	v4 =	vor.u32 v45, v0  }
0x22a: {  	[tilespmem:v12+s22+$0x0] =	vst.idx.msk $0xffff, v6;
	v6 =	vor.u32 v46, v0  }
0x22b: {  	[tilespmem:v13+s22+$0x0] =	vst.idx.msk $0xffff, v3;
	v3 =	vor.u32 v47, v0  }
0x22c: {  	[tilespmem:v14+s22+$0x0] =	vst.idx.msk $0xffff, v7;
	v7 =	vor.u32 v50, v1  }
0x22d: {  	[tilespmem:v15+s22+$0x0] =	vst.idx.msk $0xffff, v9;
	v9 =	vor.u32 v49, v1  }
0x22e: {  	[tilespmem:v4+s22+$0x0] =	vst.idx.msk $0xffff, v10;
	v4 =	vor.u32 v48, v1  }
0x22f: {  	[tilespmem:v6+s22+$0x0] =	vst.idx.msk $0xffff, v8;
	v6 =	vor.u32 v51, v1  }
0x230: {  	[tilespmem:v3+s22+$0x0] =	vst.idx.msk $0xffff, v5;
	v3 =	vor.u32 v52, v1  }
0x231: {  	v5 =	vld.idx.msk [tilespmem:v7+s19+$0x0], $0xffff;
	v7 =	vor.u32 v53, v1  }
0x232: {  	v8 =	vld.idx.msk [tilespmem:v9+s19+$0x0], $0xffff;
	v9 =	vor.u32 v55, v1  }
0x233: {  	v10 =	vor.u32 v56, v0;
	v1 =	vor.u32 v54, v1;
	v4 =	vld.idx.msk [tilespmem:v4+s19+$0x0], $0xffff  }
0x234: {  	v11 =	vor.u32 v57, v0;
	v6 =	vld.idx.msk [tilespmem:v6+s19+$0x0], $0xffff  }
0x235: {  	v12 =	vor.u32 v58, v0;
	v3 =	vld.idx.msk [tilespmem:v3+s19+$0x0], $0xffff  }
0x236: {  	v13 =	vor.u32 v59, v0;
	v7 =	vld.idx.msk [tilespmem:v7+s19+$0x0], $0xffff  }
0x237: {  	v14 =	vor.u32 v60, v0;
	v9 =	vld.idx.msk [tilespmem:v9+s19+$0x0], $0xffff  }
0x238: {  	v1 =	vld.idx.msk [tilespmem:v1+s19+$0x0], $0xffff;
	[tilespmem:v10+s22+$0x0] =	vst.idx.msk $0xffff, v4;
	v4 =	vor.u32 v61, v0  }
0x239: {  	[tilespmem:v11+s22+$0x0] =	vst.idx.msk $0xffff, v8;
	v8 =	vor.u32 v62, v0  }
0x23a: {  	[tilespmem:v12+s22+$0x0] =	vst.idx.msk $0xffff, v5;
	v5 =	vor.u32 v63, v0  }
0x23b: {  	[tilespmem:v13+s22+$0x0] =	vst.idx.msk $0xffff, v6;
	v6 =	vor.u32 v43, v2  }
0x23c: {  	v10 =	vor.u32 v29, v2;
	[tilespmem:v14+s22+$0x0] =	vst.idx.msk $0xffff, v3  }
0x23d: {  	v11 =	vor.u32 v28, v2;
	[tilespmem:v4+s22+$0x0] =	vst.idx.msk $0xffff, v7  }
0x23e: {  	v4 =	vor.u32 v31, v2;
	[tilespmem:v8+s22+$0x0] =	vst.idx.msk $0xffff, v1  }
0x23f: {  	v7 =	vor.u32 v34, v2;
	[tilespmem:v5+s22+$0x0] =	vst.idx.msk $0xffff, v9  }
0x240: {  	v15 =	vor.u32 v32, v2;
	v3 =	vld.idx.msk [tilespmem:v6+s19+$0x0], $0xffff  }
0x241: {  	v1 =	vor.u32 v30, v2;
	v8 =	vld.idx.msk [tilespmem:v10+s19+$0x0], $0xffff  }
0x242: {  	v9 =	vld.idx.msk [tilespmem:v11+s19+$0x0], $0xffff  }
0x243: {  	v6 =	vld.idx.msk [tilespmem:v4+s19+$0x0], $0xffff  }
0x244: {  	v12 =	vor.u32 v39, v0;
	v7 =	vld.idx.msk [tilespmem:v7+s19+$0x0], $0xffff  }
0x245: {  	v13 =	vor.u32 v38, v0;
	v14 =	vor.u32 v33, v2;
	v2 =	vor.u32 v35, v0;
	v4 =	vld.idx.msk [tilespmem:v15+s19+$0x0], $0xffff  }
0x246: {  	s0 =	simm.s32 $0x1;
	v10 =	vor.u32 v36, v0;
	v11 =	vor.u32 v37, v0;
	v5 =	vld.idx.msk [tilespmem:v1+s19+$0x0], $0xffff;
	v1 =	vor.u32 v40, v0  }
.LBB2_9:
0x247: {  	_ =	sdelay $0x3  }
0x248: {  	v14 =	vld.idx.msk [tilespmem:v14+s19+$0x0], $0xffff;
	s2 =	smov.u32 s0;
	[tilespmem:v2+s22+$0x0] =	vst.idx.msk $0xffff, v9  }
0x249: {  	v9 =	vor.u32 v41, v0;
	v2 =	vadd.s32 s2, v16;
	[tilespmem:v12+s22+$0x0] =	vst.idx.msk $0xffff, v8  }
0x24a: {  	v8 =	vor.u32 v42, v0;
	v12 =	vand.u32 $0xF, v2;
	[tilespmem:v13+s22+$0x0] =	vst.idx.msk $0xffff, v3  }
0x24b: {  	v13 =	vor.u32 v18, v12;
	[tilespmem:v10+s22+$0x0] =	vst.idx.msk $0xffff, v5  }
0x24c: {  	v5 =	vor.u32 v20, v12;
	[tilespmem:v11+s22+$0x0] =	vst.idx.msk $0xffff, v6  }
0x24d: {  	v3 =	vor.u32 v17, v12;
	[tilespmem:v1+s22+$0x0] =	vst.idx.msk $0xffff, v7  }
0x24e: {  	v0 =	vshll.u32 v12, $0x7;
	v10 =	vor.u32 v21, v12;
	[tilespmem:v9+s22+$0x0] =	vst.idx.msk $0xffff, v14  }
0x24f: {  	v11 =	vor.u32 v24, v12;
	v9 =	vor.u32 v16, v0;
	v16 =	vld [tilespmem:$0x1FEE0];
	[tilespmem:v8+s22+$0x0] =	vst.idx.msk $0xffff, v4  }
0x250: {  	v6 =	vor.u32 v23, v12;
	v4 =	vld.idx.msk [tilespmem:v13+s19+$0x0], $0xffff  }
0x251: {  	v7 =	vor.u32 v19, v12;
	v5 =	vld.idx.msk [tilespmem:v5+s19+$0x0], $0xffff  }
0x252: {  	v8 =	vor.u32 v22, v12;
	v3 =	vld.idx.msk [tilespmem:v3+s19+$0x0], $0xffff  }
0x253: {  	v10 =	vld.idx.msk [tilespmem:v10+s19+$0x0], $0xffff  }
0x254: {  	v13 =	vor.u32 v25, v0;
	v11 =	vld.idx.msk [tilespmem:v11+s19+$0x0], $0xffff  }
0x255: {  	v6 =	vld.idx.msk [tilespmem:v6+s19+$0x0], $0xffff  }
0x256: {  	v14 =	vor.u32 v26, v0;
	v7 =	vld.idx.msk [tilespmem:v7+s19+$0x0], $0xffff  }
0x257: {  	v8 =	vld.idx.msk [tilespmem:v8+s19+$0x0], $0xffff  }
0x258: {  	[tilespmem:v9+s22+$0x0] =	vst.idx.msk $0xffff, v3;
	v3 =	vld [tilespmem:$0x1FEF0]  }
0x259: {  	[tilespmem:v13+s22+$0x0] =	vst.idx.msk $0xffff, v4;
	v4 =	vld [tilespmem:$0x1FF00];
	_ =	sdelay $0x1  }
0x25a: {  	v15 =	vor.u32 v27, v0;
	[tilespmem:v14+s22+$0x0] =	vst.idx.msk $0xffff, v7;
	v7 =	vld [tilespmem:$0x1FF10]  }
0x25b: {  	v16 =	vor.u32 v16, v0;
	v9 =	vld [tilespmem:$0x1FF30]  }
0x25c: {  	v3 =	vor.u32 v3, v0  }
0x25d: {  	v4 =	vor.u32 v4, v0;
	_ =	sdelay $0x1  }
0x25e: {  	[tilespmem:v15+s22+$0x0] =	vst.idx.msk $0xffff, v5;
	v5 =	vld [tilespmem:$0x1FF20];
	v7 =	vor.u32 v7, v0  }
0x25f: {  	[tilespmem:v16+s22+$0x0] =	vst.idx.msk $0xffff, v10;
	v10 =	vld [tilespmem:$0x1FF90];
	v9 =	vor.u32 v9, v2  }
0x260: {  	[tilespmem:v3+s22+$0x0] =	vst.idx.msk $0xffff, v8;
	v3 =	vld [tilespmem:$0x1FF40]  }
0x261: {  	[tilespmem:v4+s22+$0x0] =	vst.idx.msk $0xffff, v6;
	v4 =	vld [tilespmem:$0x1FF50]  }
0x262: {  	v6 =	vld [tilespmem:$0x1FF60]  }
0x263: {  	[tilespmem:v7+s22+$0x0] =	vst.idx.msk $0xffff, v11;
	v7 =	vld [tilespmem:$0x1FF70]  }
0x264: {  	v8 =	vld.idx.msk [tilespmem:v9+s19+$0x0], $0xffff  }
0x265: {  	v5 =	vor.u32 v5, v2;
	v9 =	vld [tilespmem:$0x1FF80]  }
0x266: {  	v11 =	vld [tilespmem:$0x1FFA0];
	v3 =	vor.u32 v3, v2  }
0x267: {  	v13 =	vld [tilespmem:$0x1FFB0];
	v10 =	vor.u32 v10, v2  }
0x268: {  	v14 =	vld [tilespmem:$0x1FFC0];
	v4 =	vor.u32 v4, v2  }
0x269: {  	v15 =	vld [tilespmem:$0x1FFD0];
	v6 =	vor.u32 v6, v2  }
0x26a: {  	v5 =	vld.idx.msk [tilespmem:v5+s19+$0x0], $0xffff;
	v9 =	vor.u32 v9, v2  }
0x26b: {  	v7 =	vor.u32 v7, v2;
	v11 =	vor.u32 v11, v0;
	v3 =	vld.idx.msk [tilespmem:v3+s19+$0x0], $0xffff  }
0x26c: {  	v13 =	vor.u32 v13, v0;
	v10 =	vld.idx.msk [tilespmem:v10+s19+$0x0], $0xffff  }
0x26d: {  	v14 =	vor.u32 v14, v0;
	v4 =	vld.idx.msk [tilespmem:v4+s19+$0x0], $0xffff  }
0x26e: {  	v15 =	vor.u32 v15, v0;
	v6 =	vld.idx.msk [tilespmem:v6+s19+$0x0], $0xffff  }
0x26f: {  	v16 =	vor.u32 v44, v0;
	v9 =	vld.idx.msk [tilespmem:v9+s19+$0x0], $0xffff  }
0x270: {  	v7 =	vld.idx.msk [tilespmem:v7+s19+$0x0], $0xffff;
	[tilespmem:v11+s22+$0x0] =	vst.idx.msk $0xffff, v3;
	v3 =	vor.u32 v45, v0  }
0x271: {  	[tilespmem:v13+s22+$0x0] =	vst.idx.msk $0xffff, v8;
	v8 =	vor.u32 v46, v0  }
0x272: {  	[tilespmem:v14+s22+$0x0] =	vst.idx.msk $0xffff, v5;
	v5 =	vor.u32 v47, v0  }
0x273: {  	[tilespmem:v15+s22+$0x0] =	vst.idx.msk $0xffff, v4;
	v4 =	vor.u32 v50, v12  }
0x274: {  	[tilespmem:v16+s22+$0x0] =	vst.idx.msk $0xffff, v9;
	v9 =	vor.u32 v49, v12  }
0x275: {  	[tilespmem:v3+s22+$0x0] =	vst.idx.msk $0xffff, v10;
	v3 =	vor.u32 v48, v12  }
0x276: {  	v10 =	vor.u32 v54, v12;
	[tilespmem:v8+s22+$0x0] =	vst.idx.msk $0xffff, v7  }
0x277: {  	v7 =	vor.u32 v51, v12;
	[tilespmem:v5+s22+$0x0] =	vst.idx.msk $0xffff, v6  }
0x278: {  	v5 =	vor.u32 v52, v12;
	v4 =	vld.idx.msk [tilespmem:v4+s19+$0x0], $0xffff  }
0x279: {  	v6 =	vor.u32 v53, v12;
	v8 =	vld.idx.msk [tilespmem:v9+s19+$0x0], $0xffff  }
0x27a: {  	v11 =	vor.u32 v56, v0;
	v9 =	vor.u32 v55, v12;
	v3 =	vld.idx.msk [tilespmem:v3+s19+$0x0], $0xffff  }
0x27b: {  	v12 =	vor.u32 v57, v0;
	v10 =	vld.idx.msk [tilespmem:v10+s19+$0x0], $0xffff  }
0x27c: {  	v13 =	vor.u32 v58, v0;
	v7 =	vld.idx.msk [tilespmem:v7+s19+$0x0], $0xffff  }
0x27d: {  	v14 =	vor.u32 v59, v0;
	v5 =	vld.idx.msk [tilespmem:v5+s19+$0x0], $0xffff  }
0x27e: {  	v15 =	vor.u32 v60, v0;
	v6 =	vld.idx.msk [tilespmem:v6+s19+$0x0], $0xffff  }
0x27f: {  	v9 =	vld.idx.msk [tilespmem:v9+s19+$0x0], $0xffff;
	[tilespmem:v11+s22+$0x0] =	vst.idx.msk $0xffff, v3;
	v3 =	vor.u32 v61, v0  }
0x280: {  	[tilespmem:v12+s22+$0x0] =	vst.idx.msk $0xffff, v8;
	v8 =	vor.u32 v62, v0  }
0x281: {  	[tilespmem:v13+s22+$0x0] =	vst.idx.msk $0xffff, v4;
	v4 =	vor.u32 v63, v0  }
0x282: {  	[tilespmem:v14+s22+$0x0] =	vst.idx.msk $0xffff, v7;
	v7 =	vor.u32 v43, v2  }
0x283: {  	v11 =	vor.u32 v29, v2;
	[tilespmem:v15+s22+$0x0] =	vst.idx.msk $0xffff, v5  }
0x284: {  	v5 =	vor.u32 v28, v2;
	[tilespmem:v3+s22+$0x0] =	vst.idx.msk $0xffff, v6  }
0x285: {  	v6 =	vor.u32 v30, v2;
	[tilespmem:v8+s22+$0x0] =	vst.idx.msk $0xffff, v10  }
0x286: {  	[tilespmem:v4+s22+$0x0] =	vst.idx.msk $0xffff, v9;
	v4 =	vor.u32 v31, v2  }
0x287: {  	v3 =	vld.idx.msk [tilespmem:v7+s19+$0x0], $0xffff;
	v7 =	vor.u32 v34, v2  }
0x288: {  	p0 =	sne.s32 s0, $0xF;
	v8 =	vld.idx.msk [tilespmem:v11+s19+$0x0], $0xffff;
	v11 =	vor.u32 v32, v2  }
.Ltmp3:
0x289: {  	v9 =	vld.idx.msk [tilespmem:v5+s19+$0x0], $0xffff;
	(pc) =	sbr.rel @p0 .LBB2_9-.Ltmp3, $4  }
0x28a: {  	v5 =	vld.idx.msk [tilespmem:v6+s19+$0x0], $0xffff  }
0x28b: {  	v1 =	vor.u32 v40, v0;
	v16 =	vlaneseq.u32;
	v6 =	vld.idx.msk [tilespmem:v4+s19+$0x0], $0xffff  }
0x28c: {  	v12 =	vor.u32 v39, v0;
	v13 =	vor.u32 v38, v0;
	v14 =	vor.u32 v33, v2;
	v7 =	vld.idx.msk [tilespmem:v7+s19+$0x0], $0xffff  }
0x28d: {  	s0 =	sadd.s32 $0x1, s0;
	v10 =	vor.u32 v36, v0;
	v2 =	vor.u32 v35, v0;
	v4 =	vld.idx.msk [tilespmem:v11+s19+$0x0], $0xffff;
	v11 =	vor.u32 v37, v0  }
0x28e: {  	_ =	sdelay $0x3  }
0x28f: {  	v14 =	vld.idx.msk [tilespmem:v14+s19+$0x0], $0xffff  }
0x290: {  	[tilespmem:v2+s22+$0x0] =	vst.idx.msk $0xffff, v9;
	v9 =	vld [tilespmem:$0x1FF20]  }
0x291: {  	[tilespmem:v12+s22+$0x0] =	vst.idx.msk $0xffff, v8;
	v8 =	vld [tilespmem:$0x1FF80]  }
0x292: {  	v12 =	vld [tilespmem:$0x1FFB0]  }
0x293: {  	[tilespmem:v13+s22+$0x0] =	vst.idx.msk $0xffff, v3;
	v3 =	vld [tilespmem:$0x1FF10]  }
0x294: {  	v13 =	vld [tilespmem:$0x1FF60]  }
0x295: {  	[tilespmem:v10+s22+$0x0] =	vst.idx.msk $0xffff, v5;
	v5 =	vld [tilespmem:$0x1FF30]  }
0x296: {  	v2 =	vor.u32 v41, v0;
	v10 =	vld [tilespmem:$0x1FFA0]  }
0x297: {  	[tilespmem:v11+s22+$0x0] =	vst.idx.msk $0xffff, v6;
	v6 =	vld [tilespmem:$0x1FF90]  }
0x298: {  	v0 =	vor.u32 v42, v0;
	s29 =	sadd.s32 $0x1, s29;
	v11 =	vld [tilespmem:$0x1FF70]  }
0x299: {  	p0 =	sne.s32 s29, $0x32;
	[tilespmem:v1+s22+$0x0] =	vst.idx.msk $0xffff, v7;
	v1 =	vld [tilespmem:$0x1FEF0]  }
.Ltmp4:
0x29a: {  	s0 =	sshll.u32 s30, $0x12;
	v7 =	vld [tilespmem:$0x1FF50];
	(pc) =	sbr.rel @p0 .LBB2_2-.Ltmp4, $4  }
0x29b: {  	s0 =	sor.u32 s4, s0;
	[tilespmem:v2+s22+$0x0] =	vst.idx.msk $0xffff, v14;
	v2 =	vld [tilespmem:$0x1FF00]  }
0x29c: {  	s0 =	sshrl.u32 s0, $0x3;
	v14 =	vld [tilespmem:$0x1FFC0]  }
0x29d: {  	s0 =	sadd.s32 s1, s0;
	[tilespmem:v0+s22+$0x0] =	vst.idx.msk $0xffff, v4;
	v0 =	vld [tilespmem:$0x1FEE0]  }
0x29e: {  	v15 =	vmov v28;
	v4 =	vld [tilespmem:$0x1FF40];
	[hbm4b:s0+s10] =	stream.strided.scatter [tilespmem:s22], [sflag:$0x6], $0x2000, s11, s10, $0x38  }
0x29f: {  	s28 =	sadd.s32 $0x1, s28  }
0x2a0: {  	_ =	swait.ge [sflag:s24], $0x2000;
	p0 =	sne.s32 s28, s9  }
.Ltmp5:
0x2a1: {  	[sflag:s24] =	ssyncset.done $0x0;
	(pc) =	sbr.rel @p0 .LBB2_1-.Ltmp5, $4  }
0x2a2: {  	[sflag:s24] =	ssyncadd.s32 $0xFFFFE000  }
0x2a3: {  	_ =	swait.ge [sflag:s26], $0x2000  }
0x2a4: {  	[sflag:s26] =	ssyncset.done $0x0  }
0x2a5: {  	[sflag:s26] =	ssyncadd.s32 $0xFFFFE000  }
0x2a6: {  	_ =	sfence.sel $0x180000  }
0x2a7: {  	[bflag:$0x0] =	sbarrier.arrive $0xFFFF  }
0x2a8: {  	_ =	strace $0x90000047  }
0x2a9: {  	s0 =	stileid.u32;
	[bflag:$0x2] =	sbarrier.arrive $0xFFFF  }
0x2aa: {  	p0 =	sne.s32 s0, $0x0;
	s0 =	rddreg [dreg:$0x3]  }
0x2ab: {  	s0 =	sadd.s32 @!p0 $0x100000, s0  }
0x2ac: {  	[sflag:s0] =	ssyncadd.tile.s32 @!p0 $0x1;
	_ =	shalt  }
.Lfunc_end2:
_tile_overlayer_lowered:
.L_overlay_start_2:
0x2ad: {  	(tag) =	ssettag $0x2  }
0x2ae: {  	s0 =	rddreg [dreg:$0x0];
	s2 =	stileid.u32  }
0x2af: {  	s1 =	rddreg [dreg:$0x1];
	p0 =	sne.s32 s2, $0x0  }
0x2b0: {  	s3 =	rddreg [dreg:$0x2];
	[bflag:$0x3] =	sbarrier.arrive $0xFFFF;
	s2 =	simm.s32 @!p0 $0x1C07  }
0x2b1: {  	[timem:s3], [sflag:s2] =	dma.local @!p0 [hbm:s0], s1  }
0x2b2: {  	s0 =	simm.s32 @!p0 $0x7  }
0x2b3: {  	_ =	swait.ge @!p0 [sflag:s0], s1  }
0x2b4: {  	s1 =	ssub.s32 @!p0 $0x0, s1;
	[sflag:s0] =	ssyncset.done @!p0 $0x0  }
0x2b5: {  	[sflag:s0] =	ssyncadd.s32 @!p0 s1  }
0x2b6: {  	[bflag:$0x3] =	sbarrier.arrive $0xFFFF  }
0x2b7: {  	_ =	shalt  }

</sc_bundles>
